<compile_context>
chip_gen: v7x
topology: tpu7x:2x2x1
jax: 0.10.2.dev20260603
libtpu: 0.0.44.dev20260713+nightly
codegen_flags: <defaults>
</compile_context>

<pallas_src>
import functools

import jax
import jax.numpy as jnp
from jax import lax
from jax.experimental import pallas as pl
from jax.experimental.pallas import tpu as pltpu
from jax.experimental.pallas import tpu_sc as plsc

_B = 16384
_L = 200
_TOT = _B * _L
_N = 1000000
_NW = 32
_PER_W = _TOT // _NW
_CHUNK = 12800
_NCHUNK = _PER_W // _CHUNK

_NSUB = 16
_SLICE = 62528
_NPAD = _SLICE * _NSUB
_NFILL = 8
_FILL = _SLICE // _NFILL


def _make_gather():
    info = plsc.get_sparse_core_info()
    nc = info.num_cores
    mesh = plsc.VectorSubcoreMesh(core_axis_name="c", subcore_axis_name="s")

    @functools.partial(
        pl.kernel,
        mesh=mesh,
        out_type=jax.ShapeDtypeStruct((_TOT,), jnp.float32),
        scratch_types=[
            pltpu.VMEM((_CHUNK,), jnp.int32),
            pltpu.VMEM((_CHUNK,), jnp.int32),
            pltpu.VMEM((_CHUNK,), jnp.float32),
            pltpu.VMEM((_CHUNK,), jnp.float32),
            pltpu.VMEM((_FILL,), jnp.float32),
            pltpu.VMEM((_FILL,), jnp.float32),
            pltpu.VMEM_SHARED((_NPAD,), jnp.float32),
            pltpu.SemaphoreType.DMA,
            pltpu.SemaphoreType.DMA,
            pltpu.SemaphoreType.DMA,
            pltpu.SemaphoreType.DMA,
            pltpu.SemaphoreType.DMA,
            pltpu.SemaphoreType.DMA,
        ],
    )
    def gather_k(dist_hbm, idx_hbm, out_hbm,
                 idx0, idx1, out0, out1, bnc0, bnc1, tbl_sp,
                 si0, si1, sg0, sg1, so0, so1):
        cid = lax.axis_index("c")
        sid = lax.axis_index("s")
        wid = sid * nc + cid
        base = wid * _PER_W

        idx = (idx0, idx1)
        out = (out0, out1)
        bnc = (bnc0, bnc1)
        sem_i = (si0, si1)
        sem_g = (sg0, sg1)
        sem_o = (so0, so1)

        def off(ci):
            return base + ci * _CHUNK

        def load(ci):
            b = ci % 2
            pltpu.async_copy(
                idx_hbm.at[pl.ds(off(ci), _CHUNK)], idx[b], sem_i[b])

        def wait_load(ci):
            b = ci % 2
            pltpu.make_async_copy(
                idx_hbm.at[pl.ds(off(ci), _CHUNK)], idx[b], sem_i[b]).wait()

        def gather(ci):
            b = ci % 2
            pltpu.async_copy(tbl_sp.at[idx[b]], out[b], sem_g[b])

        def wait_gather(ci):
            b = ci % 2
            pltpu.make_async_copy(
                out_hbm.at[pl.ds(off(ci), _CHUNK)], out[b], sem_g[b]).wait()

        def store(ci):
            b = ci % 2
            pltpu.async_copy(
                out[b], out_hbm.at[pl.ds(off(ci), _CHUNK)], sem_o[b])

        def wait_store(ci):
            b = ci % 2
            pltpu.make_async_copy(
                out[b], out_hbm.at[pl.ds(off(ci), _CHUNK)], sem_o[b]).wait()

        s0 = sid * _SLICE

        def f0(k):
            return s0 + k * _FILL

        def fload(k):
            b = k % 2
            pltpu.async_copy(
                dist_hbm.at[pl.ds(f0(k), _FILL)], bnc[b], sem_g[b])

        def wait_fload(k):
            b = k % 2
            pltpu.make_async_copy(
                dist_hbm.at[pl.ds(f0(k), _FILL)], bnc[b], sem_g[b]).wait()

        def fstore(k):
            b = k % 2
            pltpu.async_copy(
                bnc[b], tbl_sp.at[pl.ds(f0(k), _FILL)], sem_o[b])

        def wait_fstore(k):
            b = k % 2
            pltpu.make_async_copy(
                bnc[b], tbl_sp.at[pl.ds(f0(k), _FILL)], sem_o[b]).wait()

        load(0)
        fload(0)
        for k in range(_NFILL):
            wait_fload(k)
            if k >= 2:
                wait_fstore(k - 2)
            fstore(k)
            if k + 1 < _NFILL:
                fload(k + 1)
        wait_fstore(_NFILL - 2)
        wait_fstore(_NFILL - 1)
        plsc.subcore_barrier()

        wait_load(0)
        gather(0)
        load(1)
        for ci in range(1, _NCHUNK):
            wait_load(ci)
            if ci >= 2:
                wait_store(ci - 2)
            gather(ci)
            wait_gather(ci - 1)
            store(ci - 1)
            if ci + 1 < _NCHUNK:
                load(ci + 1)
        wait_gather(_NCHUNK - 1)
        wait_store(_NCHUNK - 2)
        store(_NCHUNK - 1)
        wait_store(_NCHUNK - 1)

    return gather_k


_gather = _make_gather()


def kernel(indices, distance):
    idx = indices.astype(jnp.int32).reshape(_TOT)
    dist_pad = jnp.pad(distance, (0, _NPAD - _N))
    out = _gather(dist_pad, idx)
    return out.reshape(_B, _L)

# --- scband reference (transcript-rebuilt; emitter-appended) ---
"""Pipeline reference for scband-my-model-7980049236606 (READ-ONLY COPY).

The authoritative reference and input builder live on the scoring server;
editing this copy changes nothing except your own understanding.
"""

import jax, jax.numpy as jnp
import numpy as np

N = 1000000
B = 16384
L = 200

def setup_inputs(seed: int = 0) -> dict:
    key = jax.random.key(seed)
    k_idx, k_dist = jax.random.split(key)
    indices = jax.random.randint(k_idx, (B, L), 0, N, dtype=jnp.int64 if jax.config.jax_enable_x64 else jnp.int32)
    distance = jax.random.normal(k_dist, (N,), dtype=jnp.float32)
    return {"indices": indices, "distance": distance}

def reference(indices, distance):
    # Faithful translation of MyModel.forward: gather parameter vector by indices
    d_2 = jnp.take(distance, indices, axis=0)
    return d_2

if __name__ == "__main__":
    import jax
    _d = setup_inputs()
    print(jax.jit(kernel)(*tuple(_d.values())))

</pallas_src>

<mosaic_0001>
#map = affine_map<(d0, d1) -> (0)>
module attributes {stable_mosaic.version = 14 : i64} {
  func.func @gather_k(%arg0: i32, %arg1: i32, %arg2: memref<1000448xf32, #tpu.memory_space<hbm>>, %arg3: memref<3276800xi32, #tpu.memory_space<hbm>>, %arg4: memref<3276800xf32, #tpu.memory_space<hbm>>, %arg5: memref<12800xi32, #tpu.memory_space<vmem>>, %arg6: memref<12800xi32, #tpu.memory_space<vmem>>, %arg7: memref<12800xf32, #tpu.memory_space<vmem>>, %arg8: memref<12800xf32, #tpu.memory_space<vmem>>, %arg9: memref<7816xf32, #tpu.memory_space<vmem>>, %arg10: memref<7816xf32, #tpu.memory_space<vmem>>, %arg11: memref<1000448xf32, #tpu.memory_space<vmem_shared>>, %arg12: memref<!tpu.dma_semaphore, #tpu.memory_space<semaphore_mem>>, %arg13: memref<!tpu.dma_semaphore, #tpu.memory_space<semaphore_mem>>, %arg14: memref<!tpu.dma_semaphore, #tpu.memory_space<semaphore_mem>>, %arg15: memref<!tpu.dma_semaphore, #tpu.memory_space<semaphore_mem>>, %arg16: memref<!tpu.dma_semaphore, #tpu.memory_space<semaphore_mem>>, %arg17: memref<!tpu.dma_semaphore, #tpu.memory_space<semaphore_mem>>) attributes {dimension_semantics = [#tpu.dimension_semantics<core_parallel>, #tpu.dimension_semantics<subcore_parallel>], iteration_bounds = array<i64: 2, 16>, scalar_prefetch = 0 : i64, scratch_operands = 13 : i64, tpu.core_type = #tpu.core_type<sc_vector_subcore>, window_params = [{transform_indices = #map}, {transform_indices = #map}, {transform_indices = #map}]} {
    %mul3A = arith.constant 2 : i32
    %mul3A_0 = arith.muli %arg1, %mul3A : i32
    %add3A = arith.addi %mul3A_0, %arg0 : i32
    %mul3A_1 = arith.constant 102400 : i32
    %mul3A_2 = arith.muli %add3A, %mul3A_1 : i32
    %mul3A_3 = arith.constant 62528 : i32
    %mul3A_4 = arith.muli %arg1, %mul3A_3 : i32
    %add3A_5 = arith.constant 0 : i32
    %add3A_6 = arith.addi %mul3A_2, %add3A_5 : i32
    %dma_start3A = tpu.memref_slice %arg3[%add3A_6] : memref<3276800xi32, #tpu.memory_space<hbm>> -> memref<12800xi32, #tpu.memory_space<hbm>>
    %dma_start3A_7 = tpu.memref_slice %arg3[%add3A_6] : memref<3276800xi32, #tpu.memory_space<hbm>> -> memref<12800xi32, #tpu.memory_space<hbm>>
    tpu.enqueue_dma source(%dma_start3A_7 : memref<12800xi32, #tpu.memory_space<hbm>>) target(%arg5 : memref<12800xi32, #tpu.memory_space<vmem>>) target_semaphore(%arg12 : memref<!tpu.dma_semaphore, #tpu.memory_space<semaphore_mem>>)
    %add3A_8 = arith.constant 0 : i32
    %add3A_9 = arith.addi %mul3A_4, %add3A_8 : i32
    %dma_start3A_10 = tpu.memref_slice %arg2[%add3A_9] : memref<1000448xf32, #tpu.memory_space<hbm>> -> memref<7816xf32, #tpu.memory_space<hbm>>
    %dma_start3A_11 = tpu.memref_slice %arg2[%add3A_9] : memref<1000448xf32, #tpu.memory_space<hbm>> -> memref<7816xf32, #tpu.memory_space<hbm>>
    tpu.enqueue_dma source(%dma_start3A_11 : memref<7816xf32, #tpu.memory_space<hbm>>) target(%arg9 : memref<7816xf32, #tpu.memory_space<vmem>>) target_semaphore(%arg14 : memref<!tpu.dma_semaphore, #tpu.memory_space<semaphore_mem>>)
    %add3A_12 = arith.constant 0 : i32
    %add3A_13 = arith.addi %mul3A_4, %add3A_12 : i32
    %dma_wait3A = tpu.memref_slice %arg2[%add3A_13] : memref<1000448xf32, #tpu.memory_space<hbm>> -> memref<7816xf32, #tpu.memory_space<hbm>>
    %dma_wait3A_14 = tpu.memref_slice %arg2[%add3A_13] : memref<1000448xf32, #tpu.memory_space<hbm>> -> memref<7816xf32, #tpu.memory_space<hbm>>
    tpu.wait_dma2 semaphore(%arg14 : memref<!tpu.dma_semaphore, #tpu.memory_space<semaphore_mem>>) src(%dma_wait3A_14 : memref<7816xf32, #tpu.memory_space<hbm>>) dst(%arg9 : memref<7816xf32, #tpu.memory_space<vmem>>)
    %add3A_15 = arith.constant 0 : i32
    %add3A_16 = arith.addi %mul3A_4, %add3A_15 : i32
    %dma_start3A_17 = tpu.memref_slice %arg11[%add3A_16] : memref<1000448xf32, #tpu.memory_space<vmem_shared>> -> memref<7816xf32, #tpu.memory_space<vmem_shared>>
    %dma_start3A_18 = tpu.memref_slice %arg11[%add3A_16] : memref<1000448xf32, #tpu.memory_space<vmem_shared>> -> memref<7816xf32, #tpu.memory_space<vmem_shared>>
    tpu.enqueue_dma source(%arg9 : memref<7816xf32, #tpu.memory_space<vmem>>) target(%dma_start3A_18 : memref<7816xf32, #tpu.memory_space<vmem_shared>>) target_semaphore(%arg16 : memref<!tpu.dma_semaphore, #tpu.memory_space<semaphore_mem>>)
    %add3A_19 = arith.constant 7816 : i32
    %add3A_20 = arith.addi %mul3A_4, %add3A_19 : i32
    %dma_start3A_21 = tpu.memref_slice %arg2[%add3A_20] : memref<1000448xf32, #tpu.memory_space<hbm>> -> memref<7816xf32, #tpu.memory_space<hbm>>
    %dma_start3A_22 = tpu.memref_slice %arg2[%add3A_20] : memref<1000448xf32, #tpu.memory_space<hbm>> -> memref<7816xf32, #tpu.memory_space<hbm>>
    tpu.enqueue_dma source(%dma_start3A_22 : memref<7816xf32, #tpu.memory_space<hbm>>) target(%arg10 : memref<7816xf32, #tpu.memory_space<vmem>>) target_semaphore(%arg15 : memref<!tpu.dma_semaphore, #tpu.memory_space<semaphore_mem>>)
    %add3A_23 = arith.constant 7816 : i32
    %add3A_24 = arith.addi %mul3A_4, %add3A_23 : i32
    %dma_wait3A_25 = tpu.memref_slice %arg2[%add3A_24] : memref<1000448xf32, #tpu.memory_space<hbm>> -> memref<7816xf32, #tpu.memory_space<hbm>>
    %dma_wait3A_26 = tpu.memref_slice %arg2[%add3A_24] : memref<1000448xf32, #tpu.memory_space<hbm>> -> memref<7816xf32, #tpu.memory_space<hbm>>
    tpu.wait_dma2 semaphore(%arg15 : memref<!tpu.dma_semaphore, #tpu.memory_space<semaphore_mem>>) src(%dma_wait3A_26 : memref<7816xf32, #tpu.memory_space<hbm>>) dst(%arg10 : memref<7816xf32, #tpu.memory_space<vmem>>)
    %add3A_27 = arith.constant 7816 : i32
    %add3A_28 = arith.addi %mul3A_4, %add3A_27 : i32
    %dma_start3A_29 = tpu.memref_slice %arg11[%add3A_28] : memref<1000448xf32, #tpu.memory_space<vmem_shared>> -> memref<7816xf32, #tpu.memory_space<vmem_shared>>
    %dma_start3A_30 = tpu.memref_slice %arg11[%add3A_28] : memref<1000448xf32, #tpu.memory_space<vmem_shared>> -> memref<7816xf32, #tpu.memory_space<vmem_shared>>
    tpu.enqueue_dma source(%arg10 : memref<7816xf32, #tpu.memory_space<vmem>>) target(%dma_start3A_30 : memref<7816xf32, #tpu.memory_space<vmem_shared>>) target_semaphore(%arg17 : memref<!tpu.dma_semaphore, #tpu.memory_space<semaphore_mem>>)
    %add3A_31 = arith.constant 15632 : i32
    %add3A_32 = arith.addi %mul3A_4, %add3A_31 : i32
    %dma_start3A_33 = tpu.memref_slice %arg2[%add3A_32] : memref<1000448xf32, #tpu.memory_space<hbm>> -> memref<7816xf32, #tpu.memory_space<hbm>>
    %dma_start3A_34 = tpu.memref_slice %arg2[%add3A_32] : memref<1000448xf32, #tpu.memory_space<hbm>> -> memref<7816xf32, #tpu.memory_space<hbm>>
    tpu.enqueue_dma source(%dma_start3A_34 : memref<7816xf32, #tpu.memory_space<hbm>>) target(%arg9 : memref<7816xf32, #tpu.memory_space<vmem>>) target_semaphore(%arg14 : memref<!tpu.dma_semaphore, #tpu.memory_space<semaphore_mem>>)
    %add3A_35 = arith.constant 15632 : i32
    %add3A_36 = arith.addi %mul3A_4, %add3A_35 : i32
    %dma_wait3A_37 = tpu.memref_slice %arg2[%add3A_36] : memref<1000448xf32, #tpu.memory_space<hbm>> -> memref<7816xf32, #tpu.memory_space<hbm>>
    %dma_wait3A_38 = tpu.memref_slice %arg2[%add3A_36] : memref<1000448xf32, #tpu.memory_space<hbm>> -> memref<7816xf32, #tpu.memory_space<hbm>>
    tpu.wait_dma2 semaphore(%arg14 : memref<!tpu.dma_semaphore, #tpu.memory_space<semaphore_mem>>) src(%dma_wait3A_38 : memref<7816xf32, #tpu.memory_space<hbm>>) dst(%arg9 : memref<7816xf32, #tpu.memory_space<vmem>>)
    %add3A_39 = arith.constant 0 : i32
    %add3A_40 = arith.addi %mul3A_4, %add3A_39 : i32
    %dma_wait3A_41 = tpu.memref_slice %arg11[%add3A_40] : memref<1000448xf32, #tpu.memory_space<vmem_shared>> -> memref<7816xf32, #tpu.memory_space<vmem_shared>>
    %dma_wait3A_42 = tpu.memref_slice %arg11[%add3A_40] : memref<1000448xf32, #tpu.memory_space<vmem_shared>> -> memref<7816xf32, #tpu.memory_space<vmem_shared>>
    tpu.wait_dma2 semaphore(%arg16 : memref<!tpu.dma_semaphore, #tpu.memory_space<semaphore_mem>>) src(%arg9 : memref<7816xf32, #tpu.memory_space<vmem>>) dst(%dma_wait3A_42 : memref<7816xf32, #tpu.memory_space<vmem_shared>>)
    %add3A_43 = arith.constant 15632 : i32
    %add3A_44 = arith.addi %mul3A_4, %add3A_43 : i32
    %dma_start3A_45 = tpu.memref_slice %arg11[%add3A_44] : memref<1000448xf32, #tpu.memory_space<vmem_shared>> -> memref<7816xf32, #tpu.memory_space<vmem_shared>>
    %dma_start3A_46 = tpu.memref_slice %arg11[%add3A_44] : memref<1000448xf32, #tpu.memory_space<vmem_shared>> -> memref<7816xf32, #tpu.memory_space<vmem_shared>>
    tpu.enqueue_dma source(%arg9 : memref<7816xf32, #tpu.memory_space<vmem>>) target(%dma_start3A_46 : memref<7816xf32, #tpu.memory_space<vmem_shared>>) target_semaphore(%arg16 : memref<!tpu.dma_semaphore, #tpu.memory_space<semaphore_mem>>)
    %add3A_47 = arith.constant 23448 : i32
    %add3A_48 = arith.addi %mul3A_4, %add3A_47 : i32
    %dma_start3A_49 = tpu.memref_slice %arg2[%add3A_48] : memref<1000448xf32, #tpu.memory_space<hbm>> -> memref<7816xf32, #tpu.memory_space<hbm>>
    %dma_start3A_50 = tpu.memref_slice %arg2[%add3A_48] : memref<1000448xf32, #tpu.memory_space<hbm>> -> memref<7816xf32, #tpu.memory_space<hbm>>
    tpu.enqueue_dma source(%dma_start3A_50 : memref<7816xf32, #tpu.memory_space<hbm>>) target(%arg10 : memref<7816xf32, #tpu.memory_space<vmem>>) target_semaphore(%arg15 : memref<!tpu.dma_semaphore, #tpu.memory_space<semaphore_mem>>)
    %add3A_51 = arith.constant 23448 : i32
    %add3A_52 = arith.addi %mul3A_4, %add3A_51 : i32
    %dma_wait3A_53 = tpu.memref_slice %arg2[%add3A_52] : memref<1000448xf32, #tpu.memory_space<hbm>> -> memref<7816xf32, #tpu.memory_space<hbm>>
    %dma_wait3A_54 = tpu.memref_slice %arg2[%add3A_52] : memref<1000448xf32, #tpu.memory_space<hbm>> -> memref<7816xf32, #tpu.memory_space<hbm>>
    tpu.wait_dma2 semaphore(%arg15 : memref<!tpu.dma_semaphore, #tpu.memory_space<semaphore_mem>>) src(%dma_wait3A_54 : memref<7816xf32, #tpu.memory_space<hbm>>) dst(%arg10 : memref<7816xf32, #tpu.memory_space<vmem>>)
    %add3A_55 = arith.constant 7816 : i32
    %add3A_56 = arith.addi %mul3A_4, %add3A_55 : i32
    %dma_wait3A_57 = tpu.memref_slice %arg11[%add3A_56] : memref<1000448xf32, #tpu.memory_space<vmem_shared>> -> memref<7816xf32, #tpu.memory_space<vmem_shared>>
    %dma_wait3A_58 = tpu.memref_slice %arg11[%add3A_56] : memref<1000448xf32, #tpu.memory_space<vmem_shared>> -> memref<7816xf32, #tpu.memory_space<vmem_shared>>
    tpu.wait_dma2 semaphore(%arg17 : memref<!tpu.dma_semaphore, #tpu.memory_space<semaphore_mem>>) src(%arg10 : memref<7816xf32, #tpu.memory_space<vmem>>) dst(%dma_wait3A_58 : memref<7816xf32, #tpu.memory_space<vmem_shared>>)
    %add3A_59 = arith.constant 23448 : i32
    %add3A_60 = arith.addi %mul3A_4, %add3A_59 : i32
    %dma_start3A_61 = tpu.memref_slice %arg11[%add3A_60] : memref<1000448xf32, #tpu.memory_space<vmem_shared>> -> memref<7816xf32, #tpu.memory_space<vmem_shared>>
    %dma_start3A_62 = tpu.memref_slice %arg11[%add3A_60] : memref<1000448xf32, #tpu.memory_space<vmem_shared>> -> memref<7816xf32, #tpu.memory_space<vmem_shared>>
    tpu.enqueue_dma source(%arg10 : memref<7816xf32, #tpu.memory_space<vmem>>) target(%dma_start3A_62 : memref<7816xf32, #tpu.memory_space<vmem_shared>>) target_semaphore(%arg17 : memref<!tpu.dma_semaphore, #tpu.memory_space<semaphore_mem>>)
    %add3A_63 = arith.constant 31264 : i32
    %add3A_64 = arith.addi %mul3A_4, %add3A_63 : i32
    %dma_start3A_65 = tpu.memref_slice %arg2[%add3A_64] : memref<1000448xf32, #tpu.memory_space<hbm>> -> memref<7816xf32, #tpu.memory_space<hbm>>
    %dma_start3A_66 = tpu.memref_slice %arg2[%add3A_64] : memref<1000448xf32, #tpu.memory_space<hbm>> -> memref<7816xf32, #tpu.memory_space<hbm>>
    tpu.enqueue_dma source(%dma_start3A_66 : memref<7816xf32, #tpu.memory_space<hbm>>) target(%arg9 : memref<7816xf32, #tpu.memory_space<vmem>>) target_semaphore(%arg14 : memref<!tpu.dma_semaphore, #tpu.memory_space<semaphore_mem>>)
    %add3A_67 = arith.constant 31264 : i32
    %add3A_68 = arith.addi %mul3A_4, %add3A_67 : i32
    %dma_wait3A_69 = tpu.memref_slice %arg2[%add3A_68] : memref<1000448xf32, #tpu.memory_space<hbm>> -> memref<7816xf32, #tpu.memory_space<hbm>>
    %dma_wait3A_70 = tpu.memref_slice %arg2[%add3A_68] : memref<1000448xf32, #tpu.memory_space<hbm>> -> memref<7816xf32, #tpu.memory_space<hbm>>
    tpu.wait_dma2 semaphore(%arg14 : memref<!tpu.dma_semaphore, #tpu.memory_space<semaphore_mem>>) src(%dma_wait3A_70 : memref<7816xf32, #tpu.memory_space<hbm>>) dst(%arg9 : memref<7816xf32, #tpu.memory_space<vmem>>)
    %add3A_71 = arith.constant 15632 : i32
    %add3A_72 = arith.addi %mul3A_4, %add3A_71 : i32
    %dma_wait3A_73 = tpu.memref_slice %arg11[%add3A_72] : memref<1000448xf32, #tpu.memory_space<vmem_shared>> -> memref<7816xf32, #tpu.memory_space<vmem_shared>>
    %dma_wait3A_74 = tpu.memref_slice %arg11[%add3A_72] : memref<1000448xf32, #tpu.memory_space<vmem_shared>> -> memref<7816xf32, #tpu.memory_space<vmem_shared>>
    tpu.wait_dma2 semaphore(%arg16 : memref<!tpu.dma_semaphore, #tpu.memory_space<semaphore_mem>>) src(%arg9 : memref<7816xf32, #tpu.memory_space<vmem>>) dst(%dma_wait3A_74 : memref<7816xf32, #tpu.memory_space<vmem_shared>>)
    %add3A_75 = arith.constant 31264 : i32
    %add3A_76 = arith.addi %mul3A_4, %add3A_75 : i32
    %dma_start3A_77 = tpu.memref_slice %arg11[%add3A_76] : memref<1000448xf32, #tpu.memory_space<vmem_shared>> -> memref<7816xf32, #tpu.memory_space<vmem_shared>>
    %dma_start3A_78 = tpu.memref_slice %arg11[%add3A_76] : memref<1000448xf32, #tpu.memory_space<vmem_shared>> -> memref<7816xf32, #tpu.memory_space<vmem_shared>>
    tpu.enqueue_dma source(%arg9 : memref<7816xf32, #tpu.memory_space<vmem>>) target(%dma_start3A_78 : memref<7816xf32, #tpu.memory_space<vmem_shared>>) target_semaphore(%arg16 : memref<!tpu.dma_semaphore, #tpu.memory_space<semaphore_mem>>)
    %add3A_79 = arith.constant 39080 : i32
    %add3A_80 = arith.addi %mul3A_4, %add3A_79 : i32
    %dma_start3A_81 = tpu.memref_slice %arg2[%add3A_80] : memref<1000448xf32, #tpu.memory_space<hbm>> -> memref<7816xf32, #tpu.memory_space<hbm>>
    %dma_start3A_82 = tpu.memref_slice %arg2[%add3A_80] : memref<1000448xf32, #tpu.memory_space<hbm>> -> memref<7816xf32, #tpu.memory_space<hbm>>
    tpu.enqueue_dma source(%dma_start3A_82 : memref<7816xf32, #tpu.memory_space<hbm>>) target(%arg10 : memref<7816xf32, #tpu.memory_space<vmem>>) target_semaphore(%arg15 : memref<!tpu.dma_semaphore, #tpu.memory_space<semaphore_mem>>)
    %add3A_83 = arith.constant 39080 : i32
    %add3A_84 = arith.addi %mul3A_4, %add3A_83 : i32
    %dma_wait3A_85 = tpu.memref_slice %arg2[%add3A_84] : memref<1000448xf32, #tpu.memory_space<hbm>> -> memref<7816xf32, #tpu.memory_space<hbm>>
    %dma_wait3A_86 = tpu.memref_slice %arg2[%add3A_84] : memref<1000448xf32, #tpu.memory_space<hbm>> -> memref<7816xf32, #tpu.memory_space<hbm>>
    tpu.wait_dma2 semaphore(%arg15 : memref<!tpu.dma_semaphore, #tpu.memory_space<semaphore_mem>>) src(%dma_wait3A_86 : memref<7816xf32, #tpu.memory_space<hbm>>) dst(%arg10 : memref<7816xf32, #tpu.memory_space<vmem>>)
    %add3A_87 = arith.constant 23448 : i32
    %add3A_88 = arith.addi %mul3A_4, %add3A_87 : i32
    %dma_wait3A_89 = tpu.memref_slice %arg11[%add3A_88] : memref<1000448xf32, #tpu.memory_space<vmem_shared>> -> memref<7816xf32, #tpu.memory_space<vmem_shared>>
    %dma_wait3A_90 = tpu.memref_slice %arg11[%add3A_88] : memref<1000448xf32, #tpu.memory_space<vmem_shared>> -> memref<7816xf32, #tpu.memory_space<vmem_shared>>
    tpu.wait_dma2 semaphore(%arg17 : memref<!tpu.dma_semaphore, #tpu.memory_space<semaphore_mem>>) src(%arg10 : memref<7816xf32, #tpu.memory_space<vmem>>) dst(%dma_wait3A_90 : memref<7816xf32, #tpu.memory_space<vmem_shared>>)
    %add3A_91 = arith.constant 39080 : i32
    %add3A_92 = arith.addi %mul3A_4, %add3A_91 : i32
    %dma_start3A_93 = tpu.memref_slice %arg11[%add3A_92] : memref<1000448xf32, #tpu.memory_space<vmem_shared>> -> memref<7816xf32, #tpu.memory_space<vmem_shared>>
    %dma_start3A_94 = tpu.memref_slice %arg11[%add3A_92] : memref<1000448xf32, #tpu.memory_space<vmem_shared>> -> memref<7816xf32, #tpu.memory_space<vmem_shared>>
    tpu.enqueue_dma source(%arg10 : memref<7816xf32, #tpu.memory_space<vmem>>) target(%dma_start3A_94 : memref<7816xf32, #tpu.memory_space<vmem_shared>>) target_semaphore(%arg17 : memref<!tpu.dma_semaphore, #tpu.memory_space<semaphore_mem>>)
    %add3A_95 = arith.constant 46896 : i32
    %add3A_96 = arith.addi %mul3A_4, %add3A_95 : i32
    %dma_start3A_97 = tpu.memref_slice %arg2[%add3A_96] : memref<1000448xf32, #tpu.memory_space<hbm>> -> memref<7816xf32, #tpu.memory_space<hbm>>
    %dma_start3A_98 = tpu.memref_slice %arg2[%add3A_96] : memref<1000448xf32, #tpu.memory_space<hbm>> -> memref<7816xf32, #tpu.memory_space<hbm>>
    tpu.enqueue_dma source(%dma_start3A_98 : memref<7816xf32, #tpu.memory_space<hbm>>) target(%arg9 : memref<7816xf32, #tpu.memory_space<vmem>>) target_semaphore(%arg14 : memref<!tpu.dma_semaphore, #tpu.memory_space<semaphore_mem>>)
    %add3A_99 = arith.constant 46896 : i32
    %add3A_100 = arith.addi %mul3A_4, %add3A_99 : i32
    %dma_wait3A_101 = tpu.memref_slice %arg2[%add3A_100] : memref<1000448xf32, #tpu.memory_space<hbm>> -> memref<7816xf32, #tpu.memory_space<hbm>>
    %dma_wait3A_102 = tpu.memref_slice %arg2[%add3A_100] : memref<1000448xf32, #tpu.memory_space<hbm>> -> memref<7816xf32, #tpu.memory_space<hbm>>
    tpu.wait_dma2 semaphore(%arg14 : memref<!tpu.dma_semaphore, #tpu.memory_space<semaphore_mem>>) src(%dma_wait3A_102 : memref<7816xf32, #tpu.memory_space<hbm>>) dst(%arg9 : memref<7816xf32, #tpu.memory_space<vmem>>)
    %add3A_103 = arith.constant 31264 : i32
    %add3A_104 = arith.addi %mul3A_4, %add3A_103 : i32
    %dma_wait3A_105 = tpu.memref_slice %arg11[%add3A_104] : memref<1000448xf32, #tpu.memory_space<vmem_shared>> -> memref<7816xf32, #tpu.memory_space<vmem_shared>>
    %dma_wait3A_106 = tpu.memref_slice %arg11[%add3A_104] : memref<1000448xf32, #tpu.memory_space<vmem_shared>> -> memref<7816xf32, #tpu.memory_space<vmem_shared>>
    tpu.wait_dma2 semaphore(%arg16 : memref<!tpu.dma_semaphore, #tpu.memory_space<semaphore_mem>>) src(%arg9 : memref<7816xf32, #tpu.memory_space<vmem>>) dst(%dma_wait3A_106 : memref<7816xf32, #tpu.memory_space<vmem_shared>>)
    %add3A_107 = arith.constant 46896 : i32
    %add3A_108 = arith.addi %mul3A_4, %add3A_107 : i32
    %dma_start3A_109 = tpu.memref_slice %arg11[%add3A_108] : memref<1000448xf32, #tpu.memory_space<vmem_shared>> -> memref<7816xf32, #tpu.memory_space<vmem_shared>>
    %dma_start3A_110 = tpu.memref_slice %arg11[%add3A_108] : memref<1000448xf32, #tpu.memory_space<vmem_shared>> -> memref<7816xf32, #tpu.memory_space<vmem_shared>>
    tpu.enqueue_dma source(%arg9 : memref<7816xf32, #tpu.memory_space<vmem>>) target(%dma_start3A_110 : memref<7816xf32, #tpu.memory_space<vmem_shared>>) target_semaphore(%arg16 : memref<!tpu.dma_semaphore, #tpu.memory_space<semaphore_mem>>)
    %add3A_111 = arith.constant 54712 : i32
    %add3A_112 = arith.addi %mul3A_4, %add3A_111 : i32
    %dma_start3A_113 = tpu.memref_slice %arg2[%add3A_112] : memref<1000448xf32, #tpu.memory_space<hbm>> -> memref<7816xf32, #tpu.memory_space<hbm>>
    %dma_start3A_114 = tpu.memref_slice %arg2[%add3A_112] : memref<1000448xf32, #tpu.memory_space<hbm>> -> memref<7816xf32, #tpu.memory_space<hbm>>
    tpu.enqueue_dma source(%dma_start3A_114 : memref<7816xf32, #tpu.memory_space<hbm>>) target(%arg10 : memref<7816xf32, #tpu.memory_space<vmem>>) target_semaphore(%arg15 : memref<!tpu.dma_semaphore, #tpu.memory_space<semaphore_mem>>)
    %add3A_115 = arith.constant 54712 : i32
    %add3A_116 = arith.addi %mul3A_4, %add3A_115 : i32
    %dma_wait3A_117 = tpu.memref_slice %arg2[%add3A_116] : memref<1000448xf32, #tpu.memory_space<hbm>> -> memref<7816xf32, #tpu.memory_space<hbm>>
    %dma_wait3A_118 = tpu.memref_slice %arg2[%add3A_116] : memref<1000448xf32, #tpu.memory_space<hbm>> -> memref<7816xf32, #tpu.memory_space<hbm>>
    tpu.wait_dma2 semaphore(%arg15 : memref<!tpu.dma_semaphore, #tpu.memory_space<semaphore_mem>>) src(%dma_wait3A_118 : memref<7816xf32, #tpu.memory_space<hbm>>) dst(%arg10 : memref<7816xf32, #tpu.memory_space<vmem>>)
    %add3A_119 = arith.constant 39080 : i32
    %add3A_120 = arith.addi %mul3A_4, %add3A_119 : i32
    %dma_wait3A_121 = tpu.memref_slice %arg11[%add3A_120] : memref<1000448xf32, #tpu.memory_space<vmem_shared>> -> memref<7816xf32, #tpu.memory_space<vmem_shared>>
    %dma_wait3A_122 = tpu.memref_slice %arg11[%add3A_120] : memref<1000448xf32, #tpu.memory_space<vmem_shared>> -> memref<7816xf32, #tpu.memory_space<vmem_shared>>
    tpu.wait_dma2 semaphore(%arg17 : memref<!tpu.dma_semaphore, #tpu.memory_space<semaphore_mem>>) src(%arg10 : memref<7816xf32, #tpu.memory_space<vmem>>) dst(%dma_wait3A_122 : memref<7816xf32, #tpu.memory_space<vmem_shared>>)
    %add3A_123 = arith.constant 54712 : i32
    %add3A_124 = arith.addi %mul3A_4, %add3A_123 : i32
    %dma_start3A_125 = tpu.memref_slice %arg11[%add3A_124] : memref<1000448xf32, #tpu.memory_space<vmem_shared>> -> memref<7816xf32, #tpu.memory_space<vmem_shared>>
    %dma_start3A_126 = tpu.memref_slice %arg11[%add3A_124] : memref<1000448xf32, #tpu.memory_space<vmem_shared>> -> memref<7816xf32, #tpu.memory_space<vmem_shared>>
    tpu.enqueue_dma source(%arg10 : memref<7816xf32, #tpu.memory_space<vmem>>) target(%dma_start3A_126 : memref<7816xf32, #tpu.memory_space<vmem_shared>>) target_semaphore(%arg17 : memref<!tpu.dma_semaphore, #tpu.memory_space<semaphore_mem>>)
    %add3A_127 = arith.constant 46896 : i32
    %add3A_128 = arith.addi %mul3A_4, %add3A_127 : i32
    %dma_wait3A_129 = tpu.memref_slice %arg11[%add3A_128] : memref<1000448xf32, #tpu.memory_space<vmem_shared>> -> memref<7816xf32, #tpu.memory_space<vmem_shared>>
    %dma_wait3A_130 = tpu.memref_slice %arg11[%add3A_128] : memref<1000448xf32, #tpu.memory_space<vmem_shared>> -> memref<7816xf32, #tpu.memory_space<vmem_shared>>
    tpu.wait_dma2 semaphore(%arg16 : memref<!tpu.dma_semaphore, #tpu.memory_space<semaphore_mem>>) src(%arg9 : memref<7816xf32, #tpu.memory_space<vmem>>) dst(%dma_wait3A_130 : memref<7816xf32, #tpu.memory_space<vmem_shared>>)
    %add3A_131 = arith.constant 54712 : i32
    %add3A_132 = arith.addi %mul3A_4, %add3A_131 : i32
    %dma_wait3A_133 = tpu.memref_slice %arg11[%add3A_132] : memref<1000448xf32, #tpu.memory_space<vmem_shared>> -> memref<7816xf32, #tpu.memory_space<vmem_shared>>
    %dma_wait3A_134 = tpu.memref_slice %arg11[%add3A_132] : memref<1000448xf32, #tpu.memory_space<vmem_shared>> -> memref<7816xf32, #tpu.memory_space<vmem_shared>>
    tpu.wait_dma2 semaphore(%arg17 : memref<!tpu.dma_semaphore, #tpu.memory_space<semaphore_mem>>) src(%arg10 : memref<7816xf32, #tpu.memory_space<vmem>>) dst(%dma_wait3A_134 : memref<7816xf32, #tpu.memory_space<vmem_shared>>)
    %barrier3A = arith.constant 0 : index
    tpu.barrier barrier_id(%barrier3A)
    %add3A_135 = arith.constant 0 : i32
    %add3A_136 = arith.addi %mul3A_2, %add3A_135 : i32
    %dma_wait3A_137 = tpu.memref_slice %arg3[%add3A_136] : memref<3276800xi32, #tpu.memory_space<hbm>> -> memref<12800xi32, #tpu.memory_space<hbm>>
    %dma_wait3A_138 = tpu.memref_slice %arg3[%add3A_136] : memref<3276800xi32, #tpu.memory_space<hbm>> -> memref<12800xi32, #tpu.memory_space<hbm>>
    tpu.wait_dma2 semaphore(%arg12 : memref<!tpu.dma_semaphore, #tpu.memory_space<semaphore_mem>>) src(%dma_wait3A_138 : memref<12800xi32, #tpu.memory_space<hbm>>) dst(%arg5 : memref<12800xi32, #tpu.memory_space<vmem>>)
    %dma_start3A_139 = arith.constant 0 : i32
    %dma_start3A_140 = tpu.memref_slice %arg11[%dma_start3A_139] : memref<1000448xf32, #tpu.memory_space<vmem_shared>> -> memref<1000448xf32, #tpu.memory_space<vmem_shared>>
    tpu.enqueue_indirect_dma source(%dma_start3A_140 : memref<1000448xf32, #tpu.memory_space<vmem_shared>>) target(%arg7 : memref<12800xf32, #tpu.memory_space<vmem>>) offsets(%arg5 : memref<12800xi32, #tpu.memory_space<vmem>>) semaphore(%arg14 : memref<!tpu.dma_semaphore, #tpu.memory_space<semaphore_mem>>)
    %add3A_141 = arith.constant 12800 : i32
    %add3A_142 = arith.addi %mul3A_2, %add3A_141 : i32
    %dma_start3A_143 = tpu.memref_slice %arg3[%add3A_142] : memref<3276800xi32, #tpu.memory_space<hbm>> -> memref<12800xi32, #tpu.memory_space<hbm>>
    %dma_start3A_144 = tpu.memref_slice %arg3[%add3A_142] : memref<3276800xi32, #tpu.memory_space<hbm>> -> memref<12800xi32, #tpu.memory_space<hbm>>
    tpu.enqueue_dma source(%dma_start3A_144 : memref<12800xi32, #tpu.memory_space<hbm>>) target(%arg6 : memref<12800xi32, #tpu.memory_space<vmem>>) target_semaphore(%arg13 : memref<!tpu.dma_semaphore, #tpu.memory_space<semaphore_mem>>)
    %add3A_145 = arith.constant 12800 : i32
    %add3A_146 = arith.addi %mul3A_2, %add3A_145 : i32
    %dma_wait3A_147 = tpu.memref_slice %arg3[%add3A_146] : memref<3276800xi32, #tpu.memory_space<hbm>> -> memref<12800xi32, #tpu.memory_space<hbm>>
    %dma_wait3A_148 = tpu.memref_slice %arg3[%add3A_146] : memref<3276800xi32, #tpu.memory_space<hbm>> -> memref<12800xi32, #tpu.memory_space<hbm>>
    tpu.wait_dma2 semaphore(%arg13 : memref<!tpu.dma_semaphore, #tpu.memory_space<semaphore_mem>>) src(%dma_wait3A_148 : memref<12800xi32, #tpu.memory_space<hbm>>) dst(%arg6 : memref<12800xi32, #tpu.memory_space<vmem>>)
    %dma_start3A_149 = arith.constant 0 : i32
    %dma_start3A_150 = tpu.memref_slice %arg11[%dma_start3A_149] : memref<1000448xf32, #tpu.memory_space<vmem_shared>> -> memref<1000448xf32, #tpu.memory_space<vmem_shared>>
    tpu.enqueue_indirect_dma source(%dma_start3A_150 : memref<1000448xf32, #tpu.memory_space<vmem_shared>>) target(%arg8 : memref<12800xf32, #tpu.memory_space<vmem>>) offsets(%arg6 : memref<12800xi32, #tpu.memory_space<vmem>>) semaphore(%arg15 : memref<!tpu.dma_semaphore, #tpu.memory_space<semaphore_mem>>)
    %add3A_151 = arith.constant 0 : i32
    %add3A_152 = arith.addi %mul3A_2, %add3A_151 : i32
    %dma_wait3A_153 = tpu.memref_slice %arg4[%add3A_152] : memref<3276800xf32, #tpu.memory_space<hbm>> -> memref<12800xf32, #tpu.memory_space<hbm>>
    %dma_wait3A_154 = tpu.memref_slice %arg4[%add3A_152] : memref<3276800xf32, #tpu.memory_space<hbm>> -> memref<12800xf32, #tpu.memory_space<hbm>>
    tpu.wait_dma2 semaphore(%arg14 : memref<!tpu.dma_semaphore, #tpu.memory_space<semaphore_mem>>) src(%dma_wait3A_154 : memref<12800xf32, #tpu.memory_space<hbm>>) dst(%arg7 : memref<12800xf32, #tpu.memory_space<vmem>>)
    %add3A_155 = arith.constant 0 : i32
    %add3A_156 = arith.addi %mul3A_2, %add3A_155 : i32
    %dma_start3A_157 = tpu.memref_slice %arg4[%add3A_156] : memref<3276800xf32, #tpu.memory_space<hbm>> -> memref<12800xf32, #tpu.memory_space<hbm>>
    %dma_start3A_158 = tpu.memref_slice %arg4[%add3A_156] : memref<3276800xf32, #tpu.memory_space<hbm>> -> memref<12800xf32, #tpu.memory_space<hbm>>
    tpu.enqueue_dma source(%arg7 : memref<12800xf32, #tpu.memory_space<vmem>>) target(%dma_start3A_158 : memref<12800xf32, #tpu.memory_space<hbm>>) target_semaphore(%arg16 : memref<!tpu.dma_semaphore, #tpu.memory_space<semaphore_mem>>)
    %add3A_159 = arith.constant 25600 : i32
    %add3A_160 = arith.addi %mul3A_2, %add3A_159 : i32
    %dma_start3A_161 = tpu.memref_slice %arg3[%add3A_160] : memref<3276800xi32, #tpu.memory_space<hbm>> -> memref<12800xi32, #tpu.memory_space<hbm>>
    %dma_start3A_162 = tpu.memref_slice %arg3[%add3A_160] : memref<3276800xi32, #tpu.memory_space<hbm>> -> memref<12800xi32, #tpu.memory_space<hbm>>
    tpu.enqueue_dma source(%dma_start3A_162 : memref<12800xi32, #tpu.memory_space<hbm>>) target(%arg5 : memref<12800xi32, #tpu.memory_space<vmem>>) target_semaphore(%arg12 : memref<!tpu.dma_semaphore, #tpu.memory_space<semaphore_mem>>)
    %add3A_163 = arith.constant 25600 : i32
    %add3A_164 = arith.addi %mul3A_2, %add3A_163 : i32
    %dma_wait3A_165 = tpu.memref_slice %arg3[%add3A_164] : memref<3276800xi32, #tpu.memory_space<hbm>> -> memref<12800xi32, #tpu.memory_space<hbm>>
    %dma_wait3A_166 = tpu.memref_slice %arg3[%add3A_164] : memref<3276800xi32, #tpu.memory_space<hbm>> -> memref<12800xi32, #tpu.memory_space<hbm>>
    tpu.wait_dma2 semaphore(%arg12 : memref<!tpu.dma_semaphore, #tpu.memory_space<semaphore_mem>>) src(%dma_wait3A_166 : memref<12800xi32, #tpu.memory_space<hbm>>) dst(%arg5 : memref<12800xi32, #tpu.memory_space<vmem>>)
    %add3A_167 = arith.constant 0 : i32
    %add3A_168 = arith.addi %mul3A_2, %add3A_167 : i32
    %dma_wait3A_169 = tpu.memref_slice %arg4[%add3A_168] : memref<3276800xf32, #tpu.memory_space<hbm>> -> memref<12800xf32, #tpu.memory_space<hbm>>
    %dma_wait3A_170 = tpu.memref_slice %arg4[%add3A_168] : memref<3276800xf32, #tpu.memory_space<hbm>> -> memref<12800xf32, #tpu.memory_space<hbm>>
    tpu.wait_dma2 semaphore(%arg16 : memref<!tpu.dma_semaphore, #tpu.memory_space<semaphore_mem>>) src(%arg7 : memref<12800xf32, #tpu.memory_space<vmem>>) dst(%dma_wait3A_170 : memref<12800xf32, #tpu.memory_space<hbm>>)
    %dma_start3A_171 = arith.constant 0 : i32
    %dma_start3A_172 = tpu.memref_slice %arg11[%dma_start3A_171] : memref<1000448xf32, #tpu.memory_space<vmem_shared>> -> memref<1000448xf32, #tpu.memory_space<vmem_shared>>
    tpu.enqueue_indirect_dma source(%dma_start3A_172 : memref<1000448xf32, #tpu.memory_space<vmem_shared>>) target(%arg7 : memref<12800xf32, #tpu.memory_space<vmem>>) offsets(%arg5 : memref<12800xi32, #tpu.memory_space<vmem>>) semaphore(%arg14 : memref<!tpu.dma_semaphore, #tpu.memory_space<semaphore_mem>>)
    %add3A_173 = arith.constant 12800 : i32
    %add3A_174 = arith.addi %mul3A_2, %add3A_173 : i32
    %dma_wait3A_175 = tpu.memref_slice %arg4[%add3A_174] : memref<3276800xf32, #tpu.memory_space<hbm>> -> memref<12800xf32, #tpu.memory_space<hbm>>
    %dma_wait3A_176 = tpu.memref_slice %arg4[%add3A_174] : memref<3276800xf32, #tpu.memory_space<hbm>> -> memref<12800xf32, #tpu.memory_space<hbm>>
    tpu.wait_dma2 semaphore(%arg15 : memref<!tpu.dma_semaphore, #tpu.memory_space<semaphore_mem>>) src(%dma_wait3A_176 : memref<12800xf32, #tpu.memory_space<hbm>>) dst(%arg8 : memref<12800xf32, #tpu.memory_space<vmem>>)
    %add3A_177 = arith.constant 12800 : i32
    %add3A_178 = arith.addi %mul3A_2, %add3A_177 : i32
    %dma_start3A_179 = tpu.memref_slice %arg4[%add3A_178] : memref<3276800xf32, #tpu.memory_space<hbm>> -> memref<12800xf32, #tpu.memory_space<hbm>>
    %dma_start3A_180 = tpu.memref_slice %arg4[%add3A_178] : memref<3276800xf32, #tpu.memory_space<hbm>> -> memref<12800xf32, #tpu.memory_space<hbm>>
    tpu.enqueue_dma source(%arg8 : memref<12800xf32, #tpu.memory_space<vmem>>) target(%dma_start3A_180 : memref<12800xf32, #tpu.memory_space<hbm>>) target_semaphore(%arg17 : memref<!tpu.dma_semaphore, #tpu.memory_space<semaphore_mem>>)
    %add3A_181 = arith.constant 38400 : i32
    %add3A_182 = arith.addi %mul3A_2, %add3A_181 : i32
    %dma_start3A_183 = tpu.memref_slice %arg3[%add3A_182] : memref<3276800xi32, #tpu.memory_space<hbm>> -> memref<12800xi32, #tpu.memory_space<hbm>>
    %dma_start3A_184 = tpu.memref_slice %arg3[%add3A_182] : memref<3276800xi32, #tpu.memory_space<hbm>> -> memref<12800xi32, #tpu.memory_space<hbm>>
    tpu.enqueue_dma source(%dma_start3A_184 : memref<12800xi32, #tpu.memory_space<hbm>>) target(%arg6 : memref<12800xi32, #tpu.memory_space<vmem>>) target_semaphore(%arg13 : memref<!tpu.dma_semaphore, #tpu.memory_space<semaphore_mem>>)
    %add3A_185 = arith.constant 38400 : i32
    %add3A_186 = arith.addi %mul3A_2, %add3A_185 : i32
    %dma_wait3A_187 = tpu.memref_slice %arg3[%add3A_186] : memref<3276800xi32, #tpu.memory_space<hbm>> -> memref<12800xi32, #tpu.memory_space<hbm>>
    %dma_wait3A_188 = tpu.memref_slice %arg3[%add3A_186] : memref<3276800xi32, #tpu.memory_space<hbm>> -> memref<12800xi32, #tpu.memory_space<hbm>>
    tpu.wait_dma2 semaphore(%arg13 : memref<!tpu.dma_semaphore, #tpu.memory_space<semaphore_mem>>) src(%dma_wait3A_188 : memref<12800xi32, #tpu.memory_space<hbm>>) dst(%arg6 : memref<12800xi32, #tpu.memory_space<vmem>>)
    %add3A_189 = arith.constant 12800 : i32
    %add3A_190 = arith.addi %mul3A_2, %add3A_189 : i32
    %dma_wait3A_191 = tpu.memref_slice %arg4[%add3A_190] : memref<3276800xf32, #tpu.memory_space<hbm>> -> memref<12800xf32, #tpu.memory_space<hbm>>
    %dma_wait3A_192 = tpu.memref_slice %arg4[%add3A_190] : memref<3276800xf32, #tpu.memory_space<hbm>> -> memref<12800xf32, #tpu.memory_space<hbm>>
    tpu.wait_dma2 semaphore(%arg17 : memref<!tpu.dma_semaphore, #tpu.memory_space<semaphore_mem>>) src(%arg8 : memref<12800xf32, #tpu.memory_space<vmem>>) dst(%dma_wait3A_192 : memref<12800xf32, #tpu.memory_space<hbm>>)
    %dma_start3A_193 = arith.constant 0 : i32
    %dma_start3A_194 = tpu.memref_slice %arg11[%dma_start3A_193] : memref<1000448xf32, #tpu.memory_space<vmem_shared>> -> memref<1000448xf32, #tpu.memory_space<vmem_shared>>
    tpu.enqueue_indirect_dma source(%dma_start3A_194 : memref<1000448xf32, #tpu.memory_space<vmem_shared>>) target(%arg8 : memref<12800xf32, #tpu.memory_space<vmem>>) offsets(%arg6 : memref<12800xi32, #tpu.memory_space<vmem>>) semaphore(%arg15 : memref<!tpu.dma_semaphore, #tpu.memory_space<semaphore_mem>>)
    %add3A_195 = arith.constant 25600 : i32
    %add3A_196 = arith.addi %mul3A_2, %add3A_195 : i32
    %dma_wait3A_197 = tpu.memref_slice %arg4[%add3A_196] : memref<3276800xf32, #tpu.memory_space<hbm>> -> memref<12800xf32, #tpu.memory_space<hbm>>
    %dma_wait3A_198 = tpu.memref_slice %arg4[%add3A_196] : memref<3276800xf32, #tpu.memory_space<hbm>> -> memref<12800xf32, #tpu.memory_space<hbm>>
    tpu.wait_dma2 semaphore(%arg14 : memref<!tpu.dma_semaphore, #tpu.memory_space<semaphore_mem>>) src(%dma_wait3A_198 : memref<12800xf32, #tpu.memory_space<hbm>>) dst(%arg7 : memref<12800xf32, #tpu.memory_space<vmem>>)
    %add3A_199 = arith.constant 25600 : i32
    %add3A_200 = arith.addi %mul3A_2, %add3A_199 : i32
    %dma_start3A_201 = tpu.memref_slice %arg4[%add3A_200] : memref<3276800xf32, #tpu.memory_space<hbm>> -> memref<12800xf32, #tpu.memory_space<hbm>>
    %dma_start3A_202 = tpu.memref_slice %arg4[%add3A_200] : memref<3276800xf32, #tpu.memory_space<hbm>> -> memref<12800xf32, #tpu.memory_space<hbm>>
    tpu.enqueue_dma source(%arg7 : memref<12800xf32, #tpu.memory_space<vmem>>) target(%dma_start3A_202 : memref<12800xf32, #tpu.memory_space<hbm>>) target_semaphore(%arg16 : memref<!tpu.dma_semaphore, #tpu.memory_space<semaphore_mem>>)
    %add3A_203 = arith.constant 51200 : i32
    %add3A_204 = arith.addi %mul3A_2, %add3A_203 : i32
    %dma_start3A_205 = tpu.memref_slice %arg3[%add3A_204] : memref<3276800xi32, #tpu.memory_space<hbm>> -> memref<12800xi32, #tpu.memory_space<hbm>>
    %dma_start3A_206 = tpu.memref_slice %arg3[%add3A_204] : memref<3276800xi32, #tpu.memory_space<hbm>> -> memref<12800xi32, #tpu.memory_space<hbm>>
    tpu.enqueue_dma source(%dma_start3A_206 : memref<12800xi32, #tpu.memory_space<hbm>>) target(%arg5 : memref<12800xi32, #tpu.memory_space<vmem>>) target_semaphore(%arg12 : memref<!tpu.dma_semaphore, #tpu.memory_space<semaphore_mem>>)
    %add3A_207 = arith.constant 51200 : i32
    %add3A_208 = arith.addi %mul3A_2, %add3A_207 : i32
    %dma_wait3A_209 = tpu.memref_slice %arg3[%add3A_208] : memref<3276800xi32, #tpu.memory_space<hbm>> -> memref<12800xi32, #tpu.memory_space<hbm>>
    %dma_wait3A_210 = tpu.memref_slice %arg3[%add3A_208] : memref<3276800xi32, #tpu.memory_space<hbm>> -> memref<12800xi32, #tpu.memory_space<hbm>>
    tpu.wait_dma2 semaphore(%arg12 : memref<!tpu.dma_semaphore, #tpu.memory_space<semaphore_mem>>) src(%dma_wait3A_210 : memref<12800xi32, #tpu.memory_space<hbm>>) dst(%arg5 : memref<12800xi32, #tpu.memory_space<vmem>>)
    %add3A_211 = arith.constant 25600 : i32
    %add3A_212 = arith.addi %mul3A_2, %add3A_211 : i32
    %dma_wait3A_213 = tpu.memref_slice %arg4[%add3A_212] : memref<3276800xf32, #tpu.memory_space<hbm>> -> memref<12800xf32, #tpu.memory_space<hbm>>
    %dma_wait3A_214 = tpu.memref_slice %arg4[%add3A_212] : memref<3276800xf32, #tpu.memory_space<hbm>> -> memref<12800xf32, #tpu.memory_space<hbm>>
    tpu.wait_dma2 semaphore(%arg16 : memref<!tpu.dma_semaphore, #tpu.memory_space<semaphore_mem>>) src(%arg7 : memref<12800xf32, #tpu.memory_space<vmem>>) dst(%dma_wait3A_214 : memref<12800xf32, #tpu.memory_space<hbm>>)
    %dma_start3A_215 = arith.constant 0 : i32
    %dma_start3A_216 = tpu.memref_slice %arg11[%dma_start3A_215] : memref<1000448xf32, #tpu.memory_space<vmem_shared>> -> memref<1000448xf32, #tpu.memory_space<vmem_shared>>
    tpu.enqueue_indirect_dma source(%dma_start3A_216 : memref<1000448xf32, #tpu.memory_space<vmem_shared>>) target(%arg7 : memref<12800xf32, #tpu.memory_space<vmem>>) offsets(%arg5 : memref<12800xi32, #tpu.memory_space<vmem>>) semaphore(%arg14 : memref<!tpu.dma_semaphore, #tpu.memory_space<semaphore_mem>>)
    %add3A_217 = arith.constant 38400 : i32
    %add3A_218 = arith.addi %mul3A_2, %add3A_217 : i32
    %dma_wait3A_219 = tpu.memref_slice %arg4[%add3A_218] : memref<3276800xf32, #tpu.memory_space<hbm>> -> memref<12800xf32, #tpu.memory_space<hbm>>
    %dma_wait3A_220 = tpu.memref_slice %arg4[%add3A_218] : memref<3276800xf32, #tpu.memory_space<hbm>> -> memref<12800xf32, #tpu.memory_space<hbm>>
    tpu.wait_dma2 semaphore(%arg15 : memref<!tpu.dma_semaphore, #tpu.memory_space<semaphore_mem>>) src(%dma_wait3A_220 : memref<12800xf32, #tpu.memory_space<hbm>>) dst(%arg8 : memref<12800xf32, #tpu.memory_space<vmem>>)
    %add3A_221 = arith.constant 38400 : i32
    %add3A_222 = arith.addi %mul3A_2, %add3A_221 : i32
    %dma_start3A_223 = tpu.memref_slice %arg4[%add3A_222] : memref<3276800xf32, #tpu.memory_space<hbm>> -> memref<12800xf32, #tpu.memory_space<hbm>>
    %dma_start3A_224 = tpu.memref_slice %arg4[%add3A_222] : memref<3276800xf32, #tpu.memory_space<hbm>> -> memref<12800xf32, #tpu.memory_space<hbm>>
    tpu.enqueue_dma source(%arg8 : memref<12800xf32, #tpu.memory_space<vmem>>) target(%dma_start3A_224 : memref<12800xf32, #tpu.memory_space<hbm>>) target_semaphore(%arg17 : memref<!tpu.dma_semaphore, #tpu.memory_space<semaphore_mem>>)
    %add3A_225 = arith.constant 64000 : i32
    %add3A_226 = arith.addi %mul3A_2, %add3A_225 : i32
    %dma_start3A_227 = tpu.memref_slice %arg3[%add3A_226] : memref<3276800xi32, #tpu.memory_space<hbm>> -> memref<12800xi32, #tpu.memory_space<hbm>>
    %dma_start3A_228 = tpu.memref_slice %arg3[%add3A_226] : memref<3276800xi32, #tpu.memory_space<hbm>> -> memref<12800xi32, #tpu.memory_space<hbm>>
    tpu.enqueue_dma source(%dma_start3A_228 : memref<12800xi32, #tpu.memory_space<hbm>>) target(%arg6 : memref<12800xi32, #tpu.memory_space<vmem>>) target_semaphore(%arg13 : memref<!tpu.dma_semaphore, #tpu.memory_space<semaphore_mem>>)
    %add3A_229 = arith.constant 64000 : i32
    %add3A_230 = arith.addi %mul3A_2, %add3A_229 : i32
    %dma_wait3A_231 = tpu.memref_slice %arg3[%add3A_230] : memref<3276800xi32, #tpu.memory_space<hbm>> -> memref<12800xi32, #tpu.memory_space<hbm>>
    %dma_wait3A_232 = tpu.memref_slice %arg3[%add3A_230] : memref<3276800xi32, #tpu.memory_space<hbm>> -> memref<12800xi32, #tpu.memory_space<hbm>>
    tpu.wait_dma2 semaphore(%arg13 : memref<!tpu.dma_semaphore, #tpu.memory_space<semaphore_mem>>) src(%dma_wait3A_232 : memref<12800xi32, #tpu.memory_space<hbm>>) dst(%arg6 : memref<12800xi32, #tpu.memory_space<vmem>>)
    %add3A_233 = arith.constant 38400 : i32
    %add3A_234 = arith.addi %mul3A_2, %add3A_233 : i32
    %dma_wait3A_235 = tpu.memref_slice %arg4[%add3A_234] : memref<3276800xf32, #tpu.memory_space<hbm>> -> memref<12800xf32, #tpu.memory_space<hbm>>
    %dma_wait3A_236 = tpu.memref_slice %arg4[%add3A_234] : memref<3276800xf32, #tpu.memory_space<hbm>> -> memref<12800xf32, #tpu.memory_space<hbm>>
    tpu.wait_dma2 semaphore(%arg17 : memref<!tpu.dma_semaphore, #tpu.memory_space<semaphore_mem>>) src(%arg8 : memref<12800xf32, #tpu.memory_space<vmem>>) dst(%dma_wait3A_236 : memref<12800xf32, #tpu.memory_space<hbm>>)
    %dma_start3A_237 = arith.constant 0 : i32
    %dma_start3A_238 = tpu.memref_slice %arg11[%dma_start3A_237] : memref<1000448xf32, #tpu.memory_space<vmem_shared>> -> memref<1000448xf32, #tpu.memory_space<vmem_shared>>
    tpu.enqueue_indirect_dma source(%dma_start3A_238 : memref<1000448xf32, #tpu.memory_space<vmem_shared>>) target(%arg8 : memref<12800xf32, #tpu.memory_space<vmem>>) offsets(%arg6 : memref<12800xi32, #tpu.memory_space<vmem>>) semaphore(%arg15 : memref<!tpu.dma_semaphore, #tpu.memory_space<semaphore_mem>>)
    %add3A_239 = arith.constant 51200 : i32
    %add3A_240 = arith.addi %mul3A_2, %add3A_239 : i32
    %dma_wait3A_241 = tpu.memref_slice %arg4[%add3A_240] : memref<3276800xf32, #tpu.memory_space<hbm>> -> memref<12800xf32, #tpu.memory_space<hbm>>
    %dma_wait3A_242 = tpu.memref_slice %arg4[%add3A_240] : memref<3276800xf32, #tpu.memory_space<hbm>> -> memref<12800xf32, #tpu.memory_space<hbm>>
    tpu.wait_dma2 semaphore(%arg14 : memref<!tpu.dma_semaphore, #tpu.memory_space<semaphore_mem>>) src(%dma_wait3A_242 : memref<12800xf32, #tpu.memory_space<hbm>>) dst(%arg7 : memref<12800xf32, #tpu.memory_space<vmem>>)
    %add3A_243 = arith.constant 51200 : i32
    %add3A_244 = arith.addi %mul3A_2, %add3A_243 : i32
    %dma_start3A_245 = tpu.memref_slice %arg4[%add3A_244] : memref<3276800xf32, #tpu.memory_space<hbm>> -> memref<12800xf32, #tpu.memory_space<hbm>>
    %dma_start3A_246 = tpu.memref_slice %arg4[%add3A_244] : memref<3276800xf32, #tpu.memory_space<hbm>> -> memref<12800xf32, #tpu.memory_space<hbm>>
    tpu.enqueue_dma source(%arg7 : memref<12800xf32, #tpu.memory_space<vmem>>) target(%dma_start3A_246 : memref<12800xf32, #tpu.memory_space<hbm>>) target_semaphore(%arg16 : memref<!tpu.dma_semaphore, #tpu.memory_space<semaphore_mem>>)
    %add3A_247 = arith.constant 76800 : i32
    %add3A_248 = arith.addi %mul3A_2, %add3A_247 : i32
    %dma_start3A_249 = tpu.memref_slice %arg3[%add3A_248] : memref<3276800xi32, #tpu.memory_space<hbm>> -> memref<12800xi32, #tpu.memory_space<hbm>>
    %dma_start3A_250 = tpu.memref_slice %arg3[%add3A_248] : memref<3276800xi32, #tpu.memory_space<hbm>> -> memref<12800xi32, #tpu.memory_space<hbm>>
    tpu.enqueue_dma source(%dma_start3A_250 : memref<12800xi32, #tpu.memory_space<hbm>>) target(%arg5 : memref<12800xi32, #tpu.memory_space<vmem>>) target_semaphore(%arg12 : memref<!tpu.dma_semaphore, #tpu.memory_space<semaphore_mem>>)
    %add3A_251 = arith.constant 76800 : i32
    %add3A_252 = arith.addi %mul3A_2, %add3A_251 : i32
    %dma_wait3A_253 = tpu.memref_slice %arg3[%add3A_252] : memref<3276800xi32, #tpu.memory_space<hbm>> -> memref<12800xi32, #tpu.memory_space<hbm>>
    %dma_wait3A_254 = tpu.memref_slice %arg3[%add3A_252] : memref<3276800xi32, #tpu.memory_space<hbm>> -> memref<12800xi32, #tpu.memory_space<hbm>>
    tpu.wait_dma2 semaphore(%arg12 : memref<!tpu.dma_semaphore, #tpu.memory_space<semaphore_mem>>) src(%dma_wait3A_254 : memref<12800xi32, #tpu.memory_space<hbm>>) dst(%arg5 : memref<12800xi32, #tpu.memory_space<vmem>>)
    %add3A_255 = arith.constant 51200 : i32
    %add3A_256 = arith.addi %mul3A_2, %add3A_255 : i32
    %dma_wait3A_257 = tpu.memref_slice %arg4[%add3A_256] : memref<3276800xf32, #tpu.memory_space<hbm>> -> memref<12800xf32, #tpu.memory_space<hbm>>
    %dma_wait3A_258 = tpu.memref_slice %arg4[%add3A_256] : memref<3276800xf32, #tpu.memory_space<hbm>> -> memref<12800xf32, #tpu.memory_space<hbm>>
    tpu.wait_dma2 semaphore(%arg16 : memref<!tpu.dma_semaphore, #tpu.memory_space<semaphore_mem>>) src(%arg7 : memref<12800xf32, #tpu.memory_space<vmem>>) dst(%dma_wait3A_258 : memref<12800xf32, #tpu.memory_space<hbm>>)
    %dma_start3A_259 = arith.constant 0 : i32
    %dma_start3A_260 = tpu.memref_slice %arg11[%dma_start3A_259] : memref<1000448xf32, #tpu.memory_space<vmem_shared>> -> memref<1000448xf32, #tpu.memory_space<vmem_shared>>
    tpu.enqueue_indirect_dma source(%dma_start3A_260 : memref<1000448xf32, #tpu.memory_space<vmem_shared>>) target(%arg7 : memref<12800xf32, #tpu.memory_space<vmem>>) offsets(%arg5 : memref<12800xi32, #tpu.memory_space<vmem>>) semaphore(%arg14 : memref<!tpu.dma_semaphore, #tpu.memory_space<semaphore_mem>>)
    %add3A_261 = arith.constant 64000 : i32
    %add3A_262 = arith.addi %mul3A_2, %add3A_261 : i32
    %dma_wait3A_263 = tpu.memref_slice %arg4[%add3A_262] : memref<3276800xf32, #tpu.memory_space<hbm>> -> memref<12800xf32, #tpu.memory_space<hbm>>
    %dma_wait3A_264 = tpu.memref_slice %arg4[%add3A_262] : memref<3276800xf32, #tpu.memory_space<hbm>> -> memref<12800xf32, #tpu.memory_space<hbm>>
    tpu.wait_dma2 semaphore(%arg15 : memref<!tpu.dma_semaphore, #tpu.memory_space<semaphore_mem>>) src(%dma_wait3A_264 : memref<12800xf32, #tpu.memory_space<hbm>>) dst(%arg8 : memref<12800xf32, #tpu.memory_space<vmem>>)
    %add3A_265 = arith.constant 64000 : i32
    %add3A_266 = arith.addi %mul3A_2, %add3A_265 : i32
    %dma_start3A_267 = tpu.memref_slice %arg4[%add3A_266] : memref<3276800xf32, #tpu.memory_space<hbm>> -> memref<12800xf32, #tpu.memory_space<hbm>>
    %dma_start3A_268 = tpu.memref_slice %arg4[%add3A_266] : memref<3276800xf32, #tpu.memory_space<hbm>> -> memref<12800xf32, #tpu.memory_space<hbm>>
    tpu.enqueue_dma source(%arg8 : memref<12800xf32, #tpu.memory_space<vmem>>) target(%dma_start3A_268 : memref<12800xf32, #tpu.memory_space<hbm>>) target_semaphore(%arg17 : memref<!tpu.dma_semaphore, #tpu.memory_space<semaphore_mem>>)
    %add3A_269 = arith.constant 89600 : i32
    %add3A_270 = arith.addi %mul3A_2, %add3A_269 : i32
    %dma_start3A_271 = tpu.memref_slice %arg3[%add3A_270] : memref<3276800xi32, #tpu.memory_space<hbm>> -> memref<12800xi32, #tpu.memory_space<hbm>>
    %dma_start3A_272 = tpu.memref_slice %arg3[%add3A_270] : memref<3276800xi32, #tpu.memory_space<hbm>> -> memref<12800xi32, #tpu.memory_space<hbm>>
    tpu.enqueue_dma source(%dma_start3A_272 : memref<12800xi32, #tpu.memory_space<hbm>>) target(%arg6 : memref<12800xi32, #tpu.memory_space<vmem>>) target_semaphore(%arg13 : memref<!tpu.dma_semaphore, #tpu.memory_space<semaphore_mem>>)
    %add3A_273 = arith.constant 89600 : i32
    %add3A_274 = arith.addi %mul3A_2, %add3A_273 : i32
    %dma_wait3A_275 = tpu.memref_slice %arg3[%add3A_274] : memref<3276800xi32, #tpu.memory_space<hbm>> -> memref<12800xi32, #tpu.memory_space<hbm>>
    %dma_wait3A_276 = tpu.memref_slice %arg3[%add3A_274] : memref<3276800xi32, #tpu.memory_space<hbm>> -> memref<12800xi32, #tpu.memory_space<hbm>>
    tpu.wait_dma2 semaphore(%arg13 : memref<!tpu.dma_semaphore, #tpu.memory_space<semaphore_mem>>) src(%dma_wait3A_276 : memref<12800xi32, #tpu.memory_space<hbm>>) dst(%arg6 : memref<12800xi32, #tpu.memory_space<vmem>>)
    %add3A_277 = arith.constant 64000 : i32
    %add3A_278 = arith.addi %mul3A_2, %add3A_277 : i32
    %dma_wait3A_279 = tpu.memref_slice %arg4[%add3A_278] : memref<3276800xf32, #tpu.memory_space<hbm>> -> memref<12800xf32, #tpu.memory_space<hbm>>
    %dma_wait3A_280 = tpu.memref_slice %arg4[%add3A_278] : memref<3276800xf32, #tpu.memory_space<hbm>> -> memref<12800xf32, #tpu.memory_space<hbm>>
    tpu.wait_dma2 semaphore(%arg17 : memref<!tpu.dma_semaphore, #tpu.memory_space<semaphore_mem>>) src(%arg8 : memref<12800xf32, #tpu.memory_space<vmem>>) dst(%dma_wait3A_280 : memref<12800xf32, #tpu.memory_space<hbm>>)
    %dma_start3A_281 = arith.constant 0 : i32
    %dma_start3A_282 = tpu.memref_slice %arg11[%dma_start3A_281] : memref<1000448xf32, #tpu.memory_space<vmem_shared>> -> memref<1000448xf32, #tpu.memory_space<vmem_shared>>
    tpu.enqueue_indirect_dma source(%dma_start3A_282 : memref<1000448xf32, #tpu.memory_space<vmem_shared>>) target(%arg8 : memref<12800xf32, #tpu.memory_space<vmem>>) offsets(%arg6 : memref<12800xi32, #tpu.memory_space<vmem>>) semaphore(%arg15 : memref<!tpu.dma_semaphore, #tpu.memory_space<semaphore_mem>>)
    %add3A_283 = arith.constant 76800 : i32
    %add3A_284 = arith.addi %mul3A_2, %add3A_283 : i32
    %dma_wait3A_285 = tpu.memref_slice %arg4[%add3A_284] : memref<3276800xf32, #tpu.memory_space<hbm>> -> memref<12800xf32, #tpu.memory_space<hbm>>
    %dma_wait3A_286 = tpu.memref_slice %arg4[%add3A_284] : memref<3276800xf32, #tpu.memory_space<hbm>> -> memref<12800xf32, #tpu.memory_space<hbm>>
    tpu.wait_dma2 semaphore(%arg14 : memref<!tpu.dma_semaphore, #tpu.memory_space<semaphore_mem>>) src(%dma_wait3A_286 : memref<12800xf32, #tpu.memory_space<hbm>>) dst(%arg7 : memref<12800xf32, #tpu.memory_space<vmem>>)
    %add3A_287 = arith.constant 76800 : i32
    %add3A_288 = arith.addi %mul3A_2, %add3A_287 : i32
    %dma_start3A_289 = tpu.memref_slice %arg4[%add3A_288] : memref<3276800xf32, #tpu.memory_space<hbm>> -> memref<12800xf32, #tpu.memory_space<hbm>>
    %dma_start3A_290 = tpu.memref_slice %arg4[%add3A_288] : memref<3276800xf32, #tpu.memory_space<hbm>> -> memref<12800xf32, #tpu.memory_space<hbm>>
    tpu.enqueue_dma source(%arg7 : memref<12800xf32, #tpu.memory_space<vmem>>) target(%dma_start3A_290 : memref<12800xf32, #tpu.memory_space<hbm>>) target_semaphore(%arg16 : memref<!tpu.dma_semaphore, #tpu.memory_space<semaphore_mem>>)
    %add3A_291 = arith.constant 89600 : i32
    %add3A_292 = arith.addi %mul3A_2, %add3A_291 : i32
    %dma_wait3A_293 = tpu.memref_slice %arg4[%add3A_292] : memref<3276800xf32, #tpu.memory_space<hbm>> -> memref<12800xf32, #tpu.memory_space<hbm>>
    %dma_wait3A_294 = tpu.memref_slice %arg4[%add3A_292] : memref<3276800xf32, #tpu.memory_space<hbm>> -> memref<12800xf32, #tpu.memory_space<hbm>>
    tpu.wait_dma2 semaphore(%arg15 : memref<!tpu.dma_semaphore, #tpu.memory_space<semaphore_mem>>) src(%dma_wait3A_294 : memref<12800xf32, #tpu.memory_space<hbm>>) dst(%arg8 : memref<12800xf32, #tpu.memory_space<vmem>>)
    %add3A_295 = arith.constant 76800 : i32
    %add3A_296 = arith.addi %mul3A_2, %add3A_295 : i32
    %dma_wait3A_297 = tpu.memref_slice %arg4[%add3A_296] : memref<3276800xf32, #tpu.memory_space<hbm>> -> memref<12800xf32, #tpu.memory_space<hbm>>
    %dma_wait3A_298 = tpu.memref_slice %arg4[%add3A_296] : memref<3276800xf32, #tpu.memory_space<hbm>> -> memref<12800xf32, #tpu.memory_space<hbm>>
    tpu.wait_dma2 semaphore(%arg16 : memref<!tpu.dma_semaphore, #tpu.memory_space<semaphore_mem>>) src(%arg7 : memref<12800xf32, #tpu.memory_space<vmem>>) dst(%dma_wait3A_298 : memref<12800xf32, #tpu.memory_space<hbm>>)
    %add3A_299 = arith.constant 89600 : i32
    %add3A_300 = arith.addi %mul3A_2, %add3A_299 : i32
    %dma_start3A_301 = tpu.memref_slice %arg4[%add3A_300] : memref<3276800xf32, #tpu.memory_space<hbm>> -> memref<12800xf32, #tpu.memory_space<hbm>>
    %dma_start3A_302 = tpu.memref_slice %arg4[%add3A_300] : memref<3276800xf32, #tpu.memory_space<hbm>> -> memref<12800xf32, #tpu.memory_space<hbm>>
    tpu.enqueue_dma source(%arg8 : memref<12800xf32, #tpu.memory_space<vmem>>) target(%dma_start3A_302 : memref<12800xf32, #tpu.memory_space<hbm>>) target_semaphore(%arg17 : memref<!tpu.dma_semaphore, #tpu.memory_space<semaphore_mem>>)
    %add3A_303 = arith.constant 89600 : i32
    %add3A_304 = arith.addi %mul3A_2, %add3A_303 : i32
    %dma_wait3A_305 = tpu.memref_slice %arg4[%add3A_304] : memref<3276800xf32, #tpu.memory_space<hbm>> -> memref<12800xf32, #tpu.memory_space<hbm>>
    %dma_wait3A_306 = tpu.memref_slice %arg4[%add3A_304] : memref<3276800xf32, #tpu.memory_space<hbm>> -> memref<12800xf32, #tpu.memory_space<hbm>>
    tpu.wait_dma2 semaphore(%arg17 : memref<!tpu.dma_semaphore, #tpu.memory_space<semaphore_mem>>) src(%arg8 : memref<12800xf32, #tpu.memory_space<vmem>>) dst(%dma_wait3A_306 : memref<12800xf32, #tpu.memory_space<hbm>>)
    return
  }
}

</mosaic_0001>

<sc_bundles>
// kernel: kernel.3.cloned.1.call-start
scs
__scs_entry_jumppad:
0x0: {  	(pc) =	sbr.rel $0x88, $3  }
0x1: {  	(tag) =	ssettag $0x0;
	lr =	simm.s32 $0x1  }
0x2: {  	[smem:$0x3F9F] =	sst lr;
	_ =	strace $0xD0000000  }
0x3: {  	_ = 	snop  }
0x4: {  	_ = 	snop  }
0x5: {  	_ = 	snop  }
0x6: {  	_ = 	snop  }
0x7: {  	_ = 	snop  }
__scs_overlays_trampoline_lowered:
0x8: {  	[smem:$0x3FAE] =	sst s0  }
0x9: {  	[smem:$0x3FAF] =	sst s1  }
0xa: {  	[smem:$0x3FB0] =	sst s2  }
0xb: {  	[smem:$0x3FB1] =	sst s3  }
0xc: {  	[smem:$0x3FB2] =	sst s4  }
0xd: {  	[smem:$0x3FB3] =	sst s5  }
0xe: {  	[smem:$0x3FB4] =	sst s6  }
0xf: {  	[smem:$0x3FB5] =	sst s7  }
0x10: {  	[smem:$0x3FB6] =	sst s8  }
0x11: {  	[smem:$0x3FB7] =	sst s9;
	s0 =	simm.s32 @!p0 $0x0  }
0x12: {  	s1 =	sld [smem:$0x3F9D];
	s0 =	simm.s32 @p0 $0x1  }
0x13: {  	[smem:$0x3FB8] =	sst s0;
	s0 =	simm.s32 @!p1 $0x0  }
0x14: {  	s2 =	sld [smem:$0x3F9C];
	s0 =	simm.s32 @p1 $0x1  }
0x15: {  	[smem:$0x3FB9] =	sst s0;
	s0 =	simm.s32 @!p2 $0x0  }
0x16: {  	s3 =	sld [smem:$0x3FDB];
	s0 =	simm.s32 @p2 $0x1  }
0x17: {  	s4 =	simm.s32 $0x1BF5;
	[smem:$0x3FBB] =	sst s0  }
0x18: {  	s0 =	sld [smem:$0x3F9E];
	_ =	swait.ge [sflag:s4], $0x0  }
0x19: {  	s7 =	sld [smem:$0x3F9F]  }
0x1a: {  	s8 =	sadd.s32 $0xFFFFE003, lr  }
0x1b: {  	s9 =	sadd.s32 $0xFFFFFEF7, lr;
	s5 =	simm.s32 $0xFFFFFFFF;
	p2 =	slt.u32 s8, $0xFFFFF086  }
0x1c: {  	p1 =	slt.u32 s9, $0xF7A;
	s5 =	simm.s32 @!p2 $0x0  }
0x1d: {  	s5 =	simm.s32 @p1 $0x1;
	p0 =	seq.s32 s7, s2  }
0x1e: {  	s7 =	smul.u32 @!p0 $0xF7A, s2;
	p2 =	seq.s32 @!p0 s5, $0x0  }
0x1f: {  	s9 =	smul.u32 $0xF7A, s1;
	s8 =	simm.s32 @!p0 $0x1BF5;
	p2 =	por !p2, p0  }
0x20: {  	[sflag:s8] =	ssyncset.s32 @!p0 $0xFFFFF086;
	s6 =	sadd.s32 @!p0 s3, s7;
	s7 =	simm.s32 @!p0 $0x108  }
0x21: {  	s3 =	sadd.s32 s3, s9;
	s6 =	sadd.s32 @!p0 $0x88, s6;
	s7 =	simm.s32 @p2 $0x1082  }
0x22: {  	[simem:s7], [sflag:s8] =	dma.local @!p0 [hbm:s6], $0xF7A  }
0x23: {  	s9 =	sor.u32 $0xD0000000, s2;
	s6 =	simm.s32 $0x108;
	_ =	swait.ge @!p0 [sflag:s8], $0x0  }
0x24: {  	s3 =	sadd.s32 $0x88, s3;
	s6 =	simm.s32 @!p1 $0x1082;
	[sflag:s4] =	ssyncset.s32 $0xFFFFF086  }
0x25: {  	[simem:s6], [sflag:s4] =	dma.local [hbm:s3], $0xF7A  }
0x26: {  	[smem:$0x3F9F] =	sst s1;
	(tag) =	ssettag s2;
	_ =	strace s9  }
0x27: {  	s1 =	sld [smem:$0x3FAF]  }
0x28: {  	s2 =	sld [smem:$0x3FB0]  }
0x29: {  	s4 =	sld [smem:$0x3FB2]  }
0x2a: {  	p0 =	seq.s32 s5, $0x0;
	s5 =	sld [smem:$0x3FB3]  }
0x2b: {  	s6 =	sld [smem:$0x3FB4]  }
0x2c: {  	s7 =	sld [smem:$0x3FB5]  }
0x2d: {  	s3 =	simm.s32 $0x108;
	s8 =	sld [smem:$0x3FB6]  }
0x2e: {  	s3 =	simm.s32 @!p0 $0x1082;
	s9 =	sld [smem:$0x3FB7]  }
0x2f: {  	lr =	sadd.s32 s0, s3;
	s0 =	sld [smem:$0x3FAE]  }
0x30: {  	s3 =	sld [smem:$0x3FB1]  }
0x31: {  	[smem:$0x3FBA] =	sst s10  }
0x32: {  	s10 =	sld [smem:$0x3FB8];
	_ =	sdelay $0x3  }
0x33: {  	p0 =	seq.s32 s10, $0x1;
	s10 =	sld [smem:$0x3FBA];
	_ =	sdelay $0x3  }
0x34: {  	[smem:$0x3FBA] =	sst s10  }
0x35: {  	s10 =	sld [smem:$0x3FB9];
	_ =	sdelay $0x3  }
0x36: {  	p1 =	seq.s32 s10, $0x1;
	s10 =	sld [smem:$0x3FBA];
	_ =	sdelay $0x3  }
0x37: {  	[smem:$0x3FBA] =	sst s10  }
0x38: {  	s10 =	sld [smem:$0x3FBB]  }
0x39: {  	_ = 	snop;
	(pc) =	sbr.ind lr, $3  }
0x3a: {  	_ = 	snop  }
0x3b: {  	_ = 	snop  }
0x3c: {  	p2 =	seq.s32 s10, $0x1;
	s10 =	sld [smem:$0x3FBA]  }
0x3d: {  	_ =	shalt  }
0x3e: {  	_ =	shalt  }
0x3f: {  	_ =	shalt  }
0x40: {  	_ =	shalt  }
0x41: {  	_ =	shalt  }
0x42: {  	_ =	shalt  }
0x43: {  	_ =	shalt  }
0x44: {  	_ =	shalt  }
0x45: {  	_ =	shalt  }
0x46: {  	_ =	shalt  }
0x47: {  	_ =	shalt  }
0x48: {  	_ =	shalt  }
0x49: {  	_ =	shalt  }
0x4a: {  	_ =	shalt  }
0x4b: {  	_ =	shalt  }
0x4c: {  	_ =	shalt  }
0x4d: {  	_ =	shalt  }
0x4e: {  	_ =	shalt  }
0x4f: {  	_ =	shalt  }
0x50: {  	_ =	shalt  }
0x51: {  	_ =	shalt  }
0x52: {  	_ =	shalt  }
0x53: {  	_ =	shalt  }
0x54: {  	_ =	shalt  }
0x55: {  	_ =	shalt  }
0x56: {  	_ =	shalt  }
0x57: {  	_ =	shalt  }
0x58: {  	_ =	shalt  }
0x59: {  	_ =	shalt  }
0x5a: {  	_ =	shalt  }
0x5b: {  	_ =	shalt  }
0x5c: {  	_ =	shalt  }
0x5d: {  	_ =	shalt  }
0x5e: {  	_ =	shalt  }
0x5f: {  	_ =	shalt  }
0x60: {  	_ =	shalt  }
0x61: {  	_ =	shalt  }
0x62: {  	_ =	shalt  }
0x63: {  	_ =	shalt  }
0x64: {  	_ =	shalt  }
0x65: {  	_ =	shalt  }
0x66: {  	_ =	shalt  }
0x67: {  	_ =	shalt  }
0x68: {  	_ =	shalt  }
0x69: {  	_ =	shalt  }
0x6a: {  	_ =	shalt  }
0x6b: {  	_ =	shalt  }
0x6c: {  	_ =	shalt  }
0x6d: {  	_ =	shalt  }
0x6e: {  	_ =	shalt  }
0x6f: {  	_ =	shalt  }
0x70: {  	_ =	shalt  }
0x71: {  	_ =	shalt  }
0x72: {  	_ =	shalt  }
0x73: {  	_ =	shalt  }
0x74: {  	_ =	shalt  }
0x75: {  	_ =	shalt  }
0x76: {  	_ =	shalt  }
0x77: {  	_ =	shalt  }
0x78: {  	_ =	shalt  }
0x79: {  	_ =	shalt  }
0x7a: {  	_ =	shalt  }
0x7b: {  	_ =	shalt  }
0x7c: {  	_ =	shalt  }
0x7d: {  	_ =	shalt  }
0x7e: {  	_ =	shalt  }
0x7f: {  	_ =	shalt  }
0x80: {  	_ =	shalt  }
0x81: {  	_ =	shalt  }
0x82: {  	_ =	shalt  }
0x83: {  	_ =	shalt  }
0x84: {  	_ =	shalt  }
0x85: {  	_ =	shalt  }
0x86: {  	_ =	shalt  }
0x87: {  	_ =	shalt  }
.Lfunc_end0:
.L_simem_size_0:
called_computation_lowered:
.L_overlay_start_0:
0x88: {  	s2 =	sld [smem:$0x3FD9]  }
0x89: {  	s3 =	sld [smem:$0x3FFE];
	_ =	sdelay $0x1  }
0x8a: {  	s1 =	srdreg.scid  }
0x8b: {  	s0 =	sand.u32 $0x1, s1  }
0x8c: {  	s17 =	sshll.u32 s0, $0xA;
	s2 =	sadd.s32 s3, s2  }
0x8d: {  	s2 =	sadd.s32 s2, s17  }
0x8e: {  	[smem:$0x3FC6] =	sst s2  }
0x8f: {  	_ = 	snop  }
0x90: {  	s2 =	sld [smem:$0x3FD0];
	(tm) =	ssettm $0x1  }
0x91: {  	s18 =	sld [smem:$0x3FFB];
	_ =	sdelay $0x3  }
0x92: {  	_ =	strace s18  }
0x93: {  	s3 =	sld [smem:$0x3FFC];
	_ =	sdelay $0x3  }
0x94: {  	_ =	strace s3  }
0x95: {  	s3 =	sld [smem:$0x3FFD];
	_ =	sdelay $0x3  }
0x96: {  	_ =	strace s3  }
0x97: {  	_ =	strace $0x8FFFFFFF  }
0x98: {  	s19 =	sld [smem:$0x3FDB];
	_ =	sdelay $0x1  }
0x99: {  	s4 =	simm.s32 $_scs_section_size  }
0x9a: {  	s5 =	simm.s32 $_size__tile_overlayer_lowered;
	s6 =	simm.s32 $_tile_overlayer_lowered  }
0x9b: {  	s22 =	simm.s32 $0x1BFF;
	s21 =	sshll.u32 s6, $0x1;
	s3 =	sadd.s32 s4, s19  }
0x9c: {  	s7 =	simm.s32 $0x0;
	s20 =	sshll.u32 s5, $0x1;
	s5 =	sadd.s32 s21, s3  }
0x9d: {  	[timem:s7], [sflag:s22] =	dma.local [hbm:s5], s20  }
0x9e: {  	_ =	swait.ge [sflag:s22], s20  }
0x9f: {  	s4 =	ssub.s32 $0x0, s20;
	[sflag:s22] =	ssyncset.done $0x0  }
0xa0: {  	[sflag:s22] =	ssyncadd.s32 s4;
	_ =	sdelay $0x1  }
0xa1: {  	s23 =	simm.s32 $0x1B8B  }
0xa2: {  	_ =	swait.ge [sflag:s23], $0x1  }
0xa3: {  	[sflag:s23] =	ssyncset.done $0x0  }
0xa4: {  	s25 =	simm.s32 $0x1B8E;
	s24 =	sld [smem:$0x3FFE];
	[sflag:s23] =	ssyncadd.s32 $0xFFFFFFFF  }
0xa5: {  	s26 =	simm.s32 $execute0_lowered;
	[smem:$0x3FD2] =	sst s25  }
0xa6: {  	s5 =	sshll.u32 s26, $0x1;
	_ =	strace $0x80000046;
	[dreg:$0x1] =	wrdreg $0xFFFFFFFF  }
0xa7: {  	s28 =	simm.s32 $_size_execute0_lowered;
	s3 =	sadd.s32 s3, s5;
	[dreg:$0x0] =	wrdreg $0x0  }
0xa8: {  	s5 =	sshll.u32 s28, $0x1;
	[dreg:$0x2] =	wrdreg s3  }
0xa9: {  	[dreg:$0x3] =	wrdreg s5  }
0xaa: {  	[dreg:$0x4] =	wrdreg $0xC0  }
0xab: {  	_ =	task [dreg:s7], $0x5FFFF  }
0xac: {  	[dreg:$0x1] =	wrdreg $0xFFFFFFFF  }
0xad: {  	[dreg:$0x0] =	wrdreg $0x60  }
0xae: {  	[dreg:$0x2] =	wrdreg s24  }
0xaf: {  	[dreg:$0x3] =	wrdreg s2  }
0xb0: {  	[dreg:$0x4] =	wrdreg $0x106000  }
0xb1: {  	[dreg:$0x5] =	wrdreg $0x9  }
0xb2: {  	_ =	task.clear_ibuf [dreg:s7], $0x6FFFF;
	_ =	strace $0x90000046  }
0xb3: {  	s29 =	simm.s32 $0x9;
	_ =	strace $0x80000048  }
0xb4: {  	_ =	swait.ge [sflag:s29], $0x1  }
0xb5: {  	[sflag:s29] =	ssyncadd.s32 $0xFFFFFFFF  }
0xb6: {  	_ =	strace $0x90000048  }
0xb7: {  	_ =	sfence  }
0xb8: {  	s30 =	sld [smem:$0x0];
	_ =	sdelay $0x2  }
0xb9: {  	s31 =	sshll.u32 s1, $0xD;
	s1 =	sshrl.u32 s1, $0x2  }
0xba: {  	s3 =	sand.u32 $0x4000, s31;
	s1 =	sadd.s32 s1, s30  }
0xbb: {  	s0 =	sor.u32 s3, s0;
	s1 =	sshll.u32 s1, $0x11  }
0xbc: {  	s0 =	sor.u32 s1, s0  }
0xbd: {  	s0 =	sadd.s32 $0x8F2B, s0  }
0xbe: {  	[sflag:s0] =	ssyncadd.remote.s32 $0x1  }
0xbf: {  	_ =	sfence.sel $0xFFFF  }
0xc0: {  	[dreg:$0x0] =	wrdreg $0xFFFFFFFF;
	(pc) =	sbr.abs _section_cstart, $3  }
0xc1: {  	[dreg:$0x1] =	wrdreg $0xFFFFFFFF  }
0xc2: {  	_ =	task.clear_ibuf [dreg:s7], $0x2FFFF;
	_ =	strace $0x9FFFFFFF  }
0xc3: {  	(tm) =	ssettm $0x7FFFFFFF  }
tec
execute0_lowered:
.L_overlay_start_1:
0x0: {  	(tag) =	ssettag $0x1  }
0x1: {  	s1 =	rddreg [dreg:$0x0]  }
0x2: {  	s0 =	rddreg [dreg:$0x1]  }
0x3: {  	s3 =	rddreg [dreg:$0x2];
	s4 =	srdreg.scid  }
0x4: {  	s8 =	stileid.u32;
	s2 =	simm.s32 $0x0;
	s31 =	simm.s32 $0xC800  }
0x5: {  	s30 =	simm.s32 $0xE700;
	p0 =	por $0x0, $0x0;
	s4 =	sand.u32 $0x1, s4  }
0x6: {  	s5 =	sshll.u32 s8, $0x1;
	[smem:$0x7FF] =	sst s2;
	s7 =	sadd.s32 $0x600, s1  }
0x7: {  	s8 =	smul.u32 $0xF440, s8;
	s5 =	sor.u32 s4, s5;
	s6 =	ssub.s32 $0x2, s4  }
0x8: {  	_ =	strace $0x80000047;
	s5 =	smul.u32 $0x19000, s5;
	s16 =	sshrl.u32 s6, $0x1  }
0x9: {  	s9 =	sshrl.u32 s8, $0x3;
	s19 =	sadd.s32 $0x1E88, s8;
	s20 =	sadd.s32 s8, s3  }
0xa: {  	s22 =	sadd.s32 $0x3D10, s8;
	s18 =	sadd.s32 s7, s9;
	[dreg:$0x6] =	wrdreg s20  }
0xb: {  	s26 =	sadd.s32 $0x5B98, s8;
	s23 =	sadd.s32 s19, s3;
	[dreg:$0x5] =	wrdreg s18  }
0xc: {  	s10 =	sshrl.u32 s19, $0x3;
	s14 =	sadd.s32 s26, s3;
	[dreg:$0x8] =	wrdreg s23  }
0xd: {  	s24 =	sshrl.u32 s22, $0x3;
	s21 =	sadd.s32 s7, s10;
	[dreg:$0xc] =	wrdreg s14  }
0xe: {  	s13 =	sadd.s32 $0x7A20, s8;
	s25 =	sadd.s32 s7, s24;
	[dreg:$0x7] =	wrdreg s21  }
0xf: {  	s11 =	sshrl.u32 s26, $0x3;
	s10 =	sadd.s32 s22, s3;
	[dreg:$0x9] =	wrdreg s25  }
0x10: {  	s15 =	sshrl.u32 s13, $0x3;
	s12 =	sadd.s32 s7, s11;
	[dreg:$0xa] =	wrdreg s10  }
0x11: {  	s6 =	ssub.s32 s6, s16;
	s16 =	sadd.s32 s7, s15;
	[dreg:$0xb] =	wrdreg s12  }
0x12: {  	s5 =	sshrl.u32 s5, $0x3;
	s18 =	sadd.s32 s13, s3;
	[dreg:$0xd] =	wrdreg s16  }
0x13: {  	s4 =	sadd.s32 $0x1F000, s1;
	s17 =	sadd.s32 s0, s5;
	[dreg:$0xe] =	wrdreg s18  }
0x14: {  	s21 =	sadd.s32 $0xB730, s8;
	s9 =	sadd.s32 $0x640, s5;
	s10 =	sadd.s32 $0xC80, s5  }
0x15: {  	s11 =	sadd.s32 $0x12C0, s5;
	s12 =	sadd.s32 $0x1900, s5;
	s13 =	sadd.s32 $0x1F40, s5  }
0x16: {  	s14 =	sadd.s32 $0x2580, s5;
	[dreg:$0x4] =	wrdreg s17;
	s17 =	sadd.s32 $0x98A8, s8  }
0x17: {  	s23 =	sshrl.u32 s21, $0x3;
	s8 =	sadd.s32 $0xD5B8, s8;
	s25 =	sadd.s32 s21, s3  }
0x18: {  	s28 =	sadd.s32 s0, s9;
	s21 =	sadd.s32 s4, s10;
	s18 =	sadd.s32 s4, s11  }
0x19: {  	s15 =	sadd.s32 s4, s12;
	s16 =	sadd.s32 s0, s14;
	s19 =	sshrl.u32 s17, $0x3  }
0x1a: {  	s22 =	sadd.s32 s17, s3;
	s24 =	sadd.s32 s7, s23;
	s26 =	sshrl.u32 s8, $0x3  }
0x1b: {  	[dreg:$0x12] =	wrdreg s25;
	s29 =	sadd.s32 s8, s3;
	s25 =	sadd.s32 s4, s5  }
0x1c: {  	s23 =	sadd.s32 s4, s9;
	s17 =	sadd.s32 $0x2BC0, s5;
	s1 =	rddreg [dreg:$0x4]  }
0x1d: {  	s5 =	sadd.s32 s4, s14;
	s9 =	simm.s32 $0x3;
	[dreg:$0x10] =	wrdreg s22  }
0x1e: {  	s8 =	simm.s32 $0x4;
	s20 =	sadd.s32 s7, s19;
	[dreg:$0x11] =	wrdreg s24  }
0x1f: {  	s14 =	simm.s32 $0x3200;
	[dreg:$0xf] =	wrdreg s20;
	s20 =	smax.u32 s6, $0x1  }
0x20: {  	s7 =	sadd.s32 s7, s26;
	s26 =	sadd.s32 s0, s10;
	p1 =	sne.s32 s20, $0x1  }
.Ltmp0:
0x21: {  	s24 =	sadd.s32 s0, s11;
	s22 =	sadd.s32 s0, s12;
	(pc) =	sbr.rel @!p1 .LBB2_3-.Ltmp0, $4  }
0x22: {  	s19 =	sadd.s32 s0, s13;
	s11 =	sadd.s32 s4, s13;
	s12 =	sadd.s32 s0, s17  }
0x23: {  	s4 =	sadd.s32 s4, s17;
	s13 =	simm.s32 $0x6400;
	s17 =	simm.s32 $0x2  }
0x24: {  	s10 =	simm.s32 $0x9600;
	[dreg:$0x13] =	wrdreg s7;
	s6 =	simm.s32 $0x5  }
0x25: {  	s7 =	simm.s32 $0x6;
	s0 =	sadd.s32 $0xFFFFFFFF, s20;
	s20 =	simm.s32 $0x1  }
0x26: {  	[dreg:$0x14] =	wrdreg s0  }
0x27: {  	[tilespmem:s2], [sflag:$0x1] =	stream.linear.gather [hbm4b:s1+s2], $0x3200, $0x38;
	[tilespmem:$0x1FA40] =	vst v63  }
0x28: {  	s0 =	rddreg [dreg:$0x5]  }
0x29: {  	[tilespmem:s31], [sflag:$0x3] =	stream.linear.gather [hbm4b:s0+s2], $0x1E88, $0x38;
	[tilespmem:$0x1FA40] =	vst v63  }
0x2a: {  	_ =	swait.ge [sflag:s9], $0x1E88  }
0x2b: {  	[sflag:s9] =	ssyncset.done $0x0  }
0x2c: {  	s0 =	rddreg [dreg:$0x6];
	[sflag:s9] =	ssyncadd.s32 $0xFFFFE178  }
0x2d: {  	[spmem:s0] =	stream.linear.scatter [tilespmem:s31], [sflag:$0x5], $0x1E88, $0x38;
	[tilespmem:$0x1FA40] =	vst v63  }
0x2e: {  	s1 =	rddreg [dreg:$0x7]  }
0x2f: {  	[tilespmem:s30], [sflag:$0x4] =	stream.linear.gather [hbm4b:s1+s2], $0x1E88, $0x38;
	[tilespmem:$0x1FA40] =	vst v63  }
0x30: {  	_ =	swait.ge [sflag:s8], $0x1E88  }
0x31: {  	[sflag:s8] =	ssyncset.done $0x0  }
0x32: {  	s0 =	rddreg [dreg:$0x8];
	[sflag:s8] =	ssyncadd.s32 $0xFFFFE178  }
0x33: {  	[spmem:s0] =	stream.linear.scatter [tilespmem:s30], [sflag:$0x6], $0x1E88, $0x38;
	[tilespmem:$0x1FA40] =	vst v63  }
0x34: {  	s1 =	rddreg [dreg:$0x9]  }
0x35: {  	[tilespmem:s31], [sflag:$0x3] =	stream.linear.gather [hbm4b:s1+s2], $0x1E88, $0x38;
	[tilespmem:$0x1FA40] =	vst v63  }
0x36: {  	_ =	swait.ge [sflag:s9], $0x1E88  }
0x37: {  	[sflag:s9] =	ssyncset.done $0x0  }
0x38: {  	[sflag:s9] =	ssyncadd.s32 $0xFFFFE178  }
0x39: {  	_ =	swait.ge [sflag:s6], $0x1E88  }
0x3a: {  	[sflag:s6] =	ssyncset.done $0x0  }
0x3b: {  	s0 =	rddreg [dreg:$0xa];
	[sflag:s6] =	ssyncadd.s32 $0xFFFFE178  }
0x3c: {  	[spmem:s0] =	stream.linear.scatter [tilespmem:s31], [sflag:$0x5], $0x1E88, $0x38;
	[tilespmem:$0x1FA40] =	vst v63  }
0x3d: {  	s1 =	rddreg [dreg:$0xb]  }
0x3e: {  	[tilespmem:s30], [sflag:$0x4] =	stream.linear.gather [hbm4b:s1+s2], $0x1E88, $0x38;
	[tilespmem:$0x1FA40] =	vst v63  }
0x3f: {  	_ =	swait.ge [sflag:s8], $0x1E88  }
0x40: {  	[sflag:s8] =	ssyncset.done $0x0  }
0x41: {  	[sflag:s8] =	ssyncadd.s32 $0xFFFFE178  }
0x42: {  	_ =	swait.ge [sflag:s7], $0x1E88  }
0x43: {  	[sflag:s7] =	ssyncset.done $0x0  }
0x44: {  	s0 =	rddreg [dreg:$0xc];
	[sflag:s7] =	ssyncadd.s32 $0xFFFFE178  }
0x45: {  	[spmem:s0] =	stream.linear.scatter [tilespmem:s30], [sflag:$0x6], $0x1E88, $0x38;
	[tilespmem:$0x1FA40] =	vst v63  }
0x46: {  	s1 =	rddreg [dreg:$0xd]  }
0x47: {  	[tilespmem:s31], [sflag:$0x3] =	stream.linear.gather [hbm4b:s1+s2], $0x1E88, $0x38;
	[tilespmem:$0x1FA40] =	vst v63  }
0x48: {  	_ =	swait.ge [sflag:s9], $0x1E88  }
0x49: {  	[sflag:s9] =	ssyncset.done $0x0  }
0x4a: {  	[sflag:s9] =	ssyncadd.s32 $0xFFFFE178  }
0x4b: {  	_ =	swait.ge [sflag:s6], $0x1E88  }
0x4c: {  	[sflag:s6] =	ssyncset.done $0x0  }
0x4d: {  	s0 =	rddreg [dreg:$0xe];
	[sflag:s6] =	ssyncadd.s32 $0xFFFFE178  }
0x4e: {  	[spmem:s0] =	stream.linear.scatter [tilespmem:s31], [sflag:$0x5], $0x1E88, $0x38;
	[tilespmem:$0x1FA40] =	vst v63  }
0x4f: {  	s1 =	rddreg [dreg:$0xf]  }
0x50: {  	[tilespmem:s30], [sflag:$0x4] =	stream.linear.gather [hbm4b:s1+s2], $0x1E88, $0x38;
	[tilespmem:$0x1FA40] =	vst v63  }
0x51: {  	_ =	swait.ge [sflag:s8], $0x1E88  }
0x52: {  	[sflag:s8] =	ssyncset.done $0x0  }
0x53: {  	[sflag:s8] =	ssyncadd.s32 $0xFFFFE178  }
0x54: {  	_ =	swait.ge [sflag:s7], $0x1E88  }
0x55: {  	[sflag:s7] =	ssyncset.done $0x0  }
0x56: {  	s0 =	rddreg [dreg:$0x10];
	[sflag:s7] =	ssyncadd.s32 $0xFFFFE178  }
0x57: {  	[spmem:s0] =	stream.linear.scatter [tilespmem:s30], [sflag:$0x6], $0x1E88, $0x38;
	[tilespmem:$0x1FA40] =	vst v63  }
0x58: {  	s1 =	rddreg [dreg:$0x11]  }
0x59: {  	[tilespmem:s31], [sflag:$0x3] =	stream.linear.gather [hbm4b:s1+s2], $0x1E88, $0x38;
	[tilespmem:$0x1FA40] =	vst v63  }
0x5a: {  	_ =	swait.ge [sflag:s9], $0x1E88  }
0x5b: {  	[sflag:s9] =	ssyncset.done $0x0  }
0x5c: {  	[sflag:s9] =	ssyncadd.s32 $0xFFFFE178  }
0x5d: {  	_ =	swait.ge [sflag:s6], $0x1E88  }
0x5e: {  	[sflag:s6] =	ssyncset.done $0x0  }
0x5f: {  	s0 =	rddreg [dreg:$0x12];
	[sflag:s6] =	ssyncadd.s32 $0xFFFFE178  }
0x60: {  	[spmem:s0] =	stream.linear.scatter [tilespmem:s31], [sflag:$0x5], $0x1E88, $0x38;
	[tilespmem:$0x1FA40] =	vst v63  }
0x61: {  	s1 =	rddreg [dreg:$0x13]  }
0x62: {  	[tilespmem:s30], [sflag:$0x4] =	stream.linear.gather [hbm4b:s1+s2], $0x1E88, $0x38;
	[tilespmem:$0x1FA40] =	vst v63  }
0x63: {  	_ =	swait.ge [sflag:s8], $0x1E88  }
0x64: {  	[sflag:s8] =	ssyncset.done $0x0  }
0x65: {  	[sflag:s8] =	ssyncadd.s32 $0xFFFFE178  }
0x66: {  	_ =	swait.ge [sflag:s7], $0x1E88  }
0x67: {  	[sflag:s7] =	ssyncset.done $0x0  }
0x68: {  	[sflag:s7] =	ssyncadd.s32 $0xFFFFE178  }
0x69: {  	[spmem:s29] =	stream.linear.scatter [tilespmem:s30], [sflag:$0x6], $0x1E88, $0x38;
	[tilespmem:$0x1FA40] =	vst v63  }
0x6a: {  	_ =	swait.ge [sflag:s6], $0x1E88  }
0x6b: {  	[sflag:s6] =	ssyncset.done $0x0  }
0x6c: {  	[sflag:s6] =	ssyncadd.s32 $0xFFFFE178  }
0x6d: {  	_ =	swait.ge [sflag:s7], $0x1E88  }
0x6e: {  	[sflag:s7] =	ssyncset.done $0x0  }
0x6f: {  	[sflag:s7] =	ssyncadd.s32 $0xFFFFE178  }
0x70: {  	[bflag:$0x0] =	sbarrier.arrive $0xFFFF  }
0x71: {  	_ =	swait.ge [sflag:s20], $0x3200  }
0x72: {  	[sflag:s20] =	ssyncset.done $0x0  }
0x73: {  	[sflag:s20] =	ssyncadd.s32 $0xFFFFCE00  }
0x74: {  	[tilespmem:s13], [sflag:$0x3] =	stream.indirect.gather [spmem:s3], $0x1, s2, s14, $0xb8;
	[tilespmem:$0x1FA40] =	vst v63  }
0x75: {  	_ = 	snop  }
0x76: {  	[tilespmem:s14], [sflag:$0x2] =	stream.linear.gather [hbm4b:s28+s2], $0x3200, $0x38;
	[tilespmem:$0x1FA40] =	vst v63  }
0x77: {  	_ =	swait.ge [sflag:s17], $0x3200  }
0x78: {  	[sflag:s17] =	ssyncset.done $0x0  }
0x79: {  	[sflag:s17] =	ssyncadd.s32 $0xFFFFCE00  }
0x7a: {  	[tilespmem:s10], [sflag:$0x4] =	stream.indirect.gather [spmem:s3], $0x1, s14, s14, $0xb8;
	[tilespmem:$0x1FA40] =	vst v63  }
0x7b: {  	_ =	swait.ge [sflag:s9], $0x3200  }
0x7c: {  	[sflag:s9] =	ssyncset.done $0x0  }
0x7d: {  	[sflag:s9] =	ssyncadd.s32 $0xFFFFCE00  }
0x7e: {  	[hbm4b:s25+s2] =	stream.linear.scatter [tilespmem:s13], [sflag:$0x5], $0x3200, $0x38;
	[tilespmem:$0x1FA40] =	vst v63  }
0x7f: {  	_ = 	snop  }
0x80: {  	[tilespmem:s2], [sflag:$0x1] =	stream.linear.gather [hbm4b:s26+s2], $0x3200, $0x38;
	[tilespmem:$0x1FA40] =	vst v63  }
0x81: {  	_ =	swait.ge [sflag:s20], $0x3200  }
0x82: {  	[sflag:s20] =	ssyncset.done $0x0  }
0x83: {  	[sflag:s20] =	ssyncadd.s32 $0xFFFFCE00  }
0x84: {  	_ =	swait.ge [sflag:s6], $0x3200  }
0x85: {  	[sflag:s6] =	ssyncset.done $0x0  }
0x86: {  	[sflag:s6] =	ssyncadd.s32 $0xFFFFCE00  }
0x87: {  	[tilespmem:s13], [sflag:$0x3] =	stream.indirect.gather [spmem:s3], $0x1, s2, s14, $0xb8;
	[tilespmem:$0x1FA40] =	vst v63  }
0x88: {  	_ =	swait.ge [sflag:s8], $0x3200  }
0x89: {  	[sflag:s8] =	ssyncset.done $0x0  }
0x8a: {  	[sflag:s8] =	ssyncadd.s32 $0xFFFFCE00  }
0x8b: {  	[hbm4b:s23+s2] =	stream.linear.scatter [tilespmem:s10], [sflag:$0x6], $0x3200, $0x38;
	[tilespmem:$0x1FA40] =	vst v63  }
0x8c: {  	_ = 	snop  }
0x8d: {  	[tilespmem:s14], [sflag:$0x2] =	stream.linear.gather [hbm4b:s24+s2], $0x3200, $0x38;
	[tilespmem:$0x1FA40] =	vst v63  }
0x8e: {  	_ =	swait.ge [sflag:s17], $0x3200  }
0x8f: {  	[sflag:s17] =	ssyncset.done $0x0  }
0x90: {  	[sflag:s17] =	ssyncadd.s32 $0xFFFFCE00  }
0x91: {  	_ =	swait.ge [sflag:s7], $0x3200  }
0x92: {  	[sflag:s7] =	ssyncset.done $0x0  }
0x93: {  	[sflag:s7] =	ssyncadd.s32 $0xFFFFCE00  }
0x94: {  	[tilespmem:s10], [sflag:$0x4] =	stream.indirect.gather [spmem:s3], $0x1, s14, s14, $0xb8;
	[tilespmem:$0x1FA40] =	vst v63  }
0x95: {  	_ =	swait.ge [sflag:s9], $0x3200  }
0x96: {  	[sflag:s9] =	ssyncset.done $0x0  }
0x97: {  	[sflag:s9] =	ssyncadd.s32 $0xFFFFCE00  }
0x98: {  	[hbm4b:s21+s2] =	stream.linear.scatter [tilespmem:s13], [sflag:$0x5], $0x3200, $0x38;
	[tilespmem:$0x1FA40] =	vst v63  }
0x99: {  	_ = 	snop  }
0x9a: {  	[tilespmem:s2], [sflag:$0x1] =	stream.linear.gather [hbm4b:s22+s2], $0x3200, $0x38;
	[tilespmem:$0x1FA40] =	vst v63  }
0x9b: {  	_ =	swait.ge [sflag:s20], $0x3200  }
0x9c: {  	[sflag:s20] =	ssyncset.done $0x0  }
0x9d: {  	[sflag:s20] =	ssyncadd.s32 $0xFFFFCE00  }
0x9e: {  	_ =	swait.ge [sflag:s6], $0x3200  }
0x9f: {  	[sflag:s6] =	ssyncset.done $0x0  }
0xa0: {  	[sflag:s6] =	ssyncadd.s32 $0xFFFFCE00  }
0xa1: {  	[tilespmem:s13], [sflag:$0x3] =	stream.indirect.gather [spmem:s3], $0x1, s2, s14, $0xb8;
	[tilespmem:$0x1FA40] =	vst v63  }
0xa2: {  	_ =	swait.ge [sflag:s8], $0x3200  }
0xa3: {  	[sflag:s8] =	ssyncset.done $0x0  }
0xa4: {  	[sflag:s8] =	ssyncadd.s32 $0xFFFFCE00  }
0xa5: {  	[hbm4b:s18+s2] =	stream.linear.scatter [tilespmem:s10], [sflag:$0x6], $0x3200, $0x38;
	[tilespmem:$0x1FA40] =	vst v63  }
0xa6: {  	_ = 	snop  }
0xa7: {  	[tilespmem:s14], [sflag:$0x2] =	stream.linear.gather [hbm4b:s19+s2], $0x3200, $0x38;
	[tilespmem:$0x1FA40] =	vst v63  }
0xa8: {  	_ =	swait.ge [sflag:s17], $0x3200  }
0xa9: {  	[sflag:s17] =	ssyncset.done $0x0  }
0xaa: {  	[sflag:s17] =	ssyncadd.s32 $0xFFFFCE00  }
0xab: {  	_ =	swait.ge [sflag:s7], $0x3200  }
0xac: {  	[sflag:s7] =	ssyncset.done $0x0  }
0xad: {  	[sflag:s7] =	ssyncadd.s32 $0xFFFFCE00  }
0xae: {  	[tilespmem:s10], [sflag:$0x4] =	stream.indirect.gather [spmem:s3], $0x1, s14, s14, $0xb8;
	[tilespmem:$0x1FA40] =	vst v63  }
0xaf: {  	_ =	swait.ge [sflag:s9], $0x3200  }
0xb0: {  	[sflag:s9] =	ssyncset.done $0x0  }
0xb1: {  	[sflag:s9] =	ssyncadd.s32 $0xFFFFCE00  }
0xb2: {  	[hbm4b:s15+s2] =	stream.linear.scatter [tilespmem:s13], [sflag:$0x5], $0x3200, $0x38;
	[tilespmem:$0x1FA40] =	vst v63  }
0xb3: {  	_ = 	snop  }
0xb4: {  	[tilespmem:s2], [sflag:$0x1] =	stream.linear.gather [hbm4b:s16+s2], $0x3200, $0x38;
	[tilespmem:$0x1FA40] =	vst v63  }
0xb5: {  	_ =	swait.ge [sflag:s20], $0x3200  }
0xb6: {  	[sflag:s20] =	ssyncset.done $0x0  }
0xb7: {  	[sflag:s20] =	ssyncadd.s32 $0xFFFFCE00  }
0xb8: {  	_ =	swait.ge [sflag:s6], $0x3200  }
0xb9: {  	[sflag:s6] =	ssyncset.done $0x0  }
0xba: {  	[sflag:s6] =	ssyncadd.s32 $0xFFFFCE00  }
0xbb: {  	[tilespmem:s13], [sflag:$0x3] =	stream.indirect.gather [spmem:s3], $0x1, s2, s14, $0xb8;
	[tilespmem:$0x1FA40] =	vst v63  }
0xbc: {  	_ =	swait.ge [sflag:s8], $0x3200  }
0xbd: {  	[sflag:s8] =	ssyncset.done $0x0  }
0xbe: {  	[sflag:s8] =	ssyncadd.s32 $0xFFFFCE00  }
0xbf: {  	[hbm4b:s11+s2] =	stream.linear.scatter [tilespmem:s10], [sflag:$0x6], $0x3200, $0x38;
	[tilespmem:$0x1FA40] =	vst v63  }
0xc0: {  	_ = 	snop  }
0xc1: {  	[tilespmem:s14], [sflag:$0x2] =	stream.linear.gather [hbm4b:s12+s2], $0x3200, $0x38;
	[tilespmem:$0x1FA40] =	vst v63  }
0xc2: {  	_ =	swait.ge [sflag:s17], $0x3200  }
0xc3: {  	[sflag:s17] =	ssyncset.done $0x0  }
0xc4: {  	[sflag:s17] =	ssyncadd.s32 $0xFFFFCE00  }
0xc5: {  	_ =	swait.ge [sflag:s7], $0x3200  }
0xc6: {  	[sflag:s7] =	ssyncset.done $0x0  }
0xc7: {  	[sflag:s7] =	ssyncadd.s32 $0xFFFFCE00  }
0xc8: {  	[tilespmem:s10], [sflag:$0x4] =	stream.indirect.gather [spmem:s3], $0x1, s14, s14, $0xb8;
	[tilespmem:$0x1FA40] =	vst v63  }
0xc9: {  	_ =	swait.ge [sflag:s9], $0x3200  }
0xca: {  	[sflag:s9] =	ssyncset.done $0x0  }
0xcb: {  	[sflag:s9] =	ssyncadd.s32 $0xFFFFCE00  }
0xcc: {  	[hbm4b:s5+s2] =	stream.linear.scatter [tilespmem:s13], [sflag:$0x5], $0x3200, $0x38;
	[tilespmem:$0x1FA40] =	vst v63  }
0xcd: {  	_ =	swait.ge [sflag:s8], $0x3200  }
0xce: {  	[sflag:s8] =	ssyncset.done $0x0  }
0xcf: {  	[sflag:s8] =	ssyncadd.s32 $0xFFFFCE00  }
0xd0: {  	_ =	swait.ge [sflag:s6], $0x3200  }
0xd1: {  	s1 =	rddreg [dreg:$0x14]  }
0xd2: {  	p1 =	sne.s32 s1, $0x1  }
.Ltmp1:
0xd3: {  	[sflag:s6] =	ssyncset.done $0x0;
	(pc) =	sbr.rel @!p1 .LBB2_3-.Ltmp1, $4  }
0xd4: {  	[sflag:s6] =	ssyncadd.s32 $0xFFFFCE00  }
0xd5: {  	[hbm4b:s4+s2] =	stream.linear.scatter [tilespmem:s10], [sflag:$0x6], $0x3200, $0x38;
	[tilespmem:$0x1FA40] =	vst v63  }
0xd6: {  	p0 =	por $0x1, $0x1;
	_ =	swait.ge [sflag:s7], $0x3200  }
0xd7: {  	s0 =	sadd.s32 $0xFFFFFFFF, s1;
	s1 =	rddreg [dreg:$0x4];
	[sflag:s7] =	ssyncset.done $0x0  }
.LBB2_2:
0xd8: {  	[sflag:s7] =	ssyncadd.s32 $0xFFFFCE00  }
0xd9: {  	s10 =	smov.u32 s3;
	s3 =	smov.u32 s29;
	s29 =	smov.u32 s28  }
0xda: {  	s28 =	smov.u32 s26;
	s26 =	smov.u32 s25;
	s25 =	smov.u32 s24  }
0xdb: {  	s24 =	smov.u32 s23;
	s23 =	smov.u32 s22;
	s22 =	smov.u32 s21  }
0xdc: {  	s21 =	smov.u32 s19;
	s19 =	smov.u32 s18;
	s18 =	smov.u32 s16  }
0xdd: {  	s16 =	smov.u32 s15;
	s15 =	smov.u32 s12;
	s12 =	smov.u32 s11  }
0xde: {  	[tilespmem:s2], [sflag:$0x1] =	stream.linear.gather [hbm4b:s1+s2], $0x3200, $0x38;
	[tilespmem:$0x1FA40] =	vst v63  }
0xdf: {  	s11 =	smov.u32 s5;
	s5 =	smov.u32 s4;
	s4 =	rddreg [dreg:$0x5]  }
0xe0: {  	[tilespmem:s31], [sflag:$0x3] =	stream.linear.gather [hbm4b:s4+s2], $0x1E88, $0x38;
	[tilespmem:$0x1FA40] =	vst v63  }
0xe1: {  	_ =	swait.ge [sflag:s9], $0x1E88  }
0xe2: {  	[sflag:s9] =	ssyncset.done $0x0  }
0xe3: {  	s1 =	rddreg [dreg:$0x6];
	[sflag:s9] =	ssyncadd.s32 $0xFFFFE178  }
0xe4: {  	[spmem:s1] =	stream.linear.scatter [tilespmem:s31], [sflag:$0x5], $0x1E88, $0x38;
	[tilespmem:$0x1FA40] =	vst v63  }
0xe5: {  	s4 =	rddreg [dreg:$0x7]  }
0xe6: {  	[tilespmem:s30], [sflag:$0x4] =	stream.linear.gather [hbm4b:s4+s2], $0x1E88, $0x38;
	[tilespmem:$0x1FA40] =	vst v63  }
0xe7: {  	_ =	swait.ge [sflag:s8], $0x1E88  }
0xe8: {  	[sflag:s8] =	ssyncset.done $0x0  }
0xe9: {  	s1 =	rddreg [dreg:$0x8];
	[sflag:s8] =	ssyncadd.s32 $0xFFFFE178  }
0xea: {  	[spmem:s1] =	stream.linear.scatter [tilespmem:s30], [sflag:$0x6], $0x1E88, $0x38;
	[tilespmem:$0x1FA40] =	vst v63  }
0xeb: {  	s4 =	rddreg [dreg:$0x9]  }
0xec: {  	[tilespmem:s31], [sflag:$0x3] =	stream.linear.gather [hbm4b:s4+s2], $0x1E88, $0x38;
	[tilespmem:$0x1FA40] =	vst v63  }
0xed: {  	_ =	swait.ge [sflag:s9], $0x1E88  }
0xee: {  	[sflag:s9] =	ssyncset.done $0x0  }
0xef: {  	[sflag:s9] =	ssyncadd.s32 $0xFFFFE178  }
0xf0: {  	_ =	swait.ge [sflag:s6], $0x1E88  }
0xf1: {  	[sflag:s6] =	ssyncset.done $0x0  }
0xf2: {  	s1 =	rddreg [dreg:$0xa];
	[sflag:s6] =	ssyncadd.s32 $0xFFFFE178  }
0xf3: {  	[spmem:s1] =	stream.linear.scatter [tilespmem:s31], [sflag:$0x5], $0x1E88, $0x38;
	[tilespmem:$0x1FA40] =	vst v63  }
0xf4: {  	s4 =	rddreg [dreg:$0xb]  }
0xf5: {  	[tilespmem:s30], [sflag:$0x4] =	stream.linear.gather [hbm4b:s4+s2], $0x1E88, $0x38;
	[tilespmem:$0x1FA40] =	vst v63  }
0xf6: {  	_ =	swait.ge [sflag:s8], $0x1E88  }
0xf7: {  	[sflag:s8] =	ssyncset.done $0x0  }
0xf8: {  	[sflag:s8] =	ssyncadd.s32 $0xFFFFE178  }
0xf9: {  	_ =	swait.ge [sflag:s7], $0x1E88  }
0xfa: {  	[sflag:s7] =	ssyncset.done $0x0  }
0xfb: {  	s1 =	rddreg [dreg:$0xc];
	[sflag:s7] =	ssyncadd.s32 $0xFFFFE178  }
0xfc: {  	[spmem:s1] =	stream.linear.scatter [tilespmem:s30], [sflag:$0x6], $0x1E88, $0x38;
	[tilespmem:$0x1FA40] =	vst v63  }
0xfd: {  	s4 =	rddreg [dreg:$0xd]  }
0xfe: {  	[tilespmem:s31], [sflag:$0x3] =	stream.linear.gather [hbm4b:s4+s2], $0x1E88, $0x38;
	[tilespmem:$0x1FA40] =	vst v63  }
0xff: {  	_ =	swait.ge [sflag:s9], $0x1E88  }
0x100: {  	[sflag:s9] =	ssyncset.done $0x0  }
0x101: {  	[sflag:s9] =	ssyncadd.s32 $0xFFFFE178  }
0x102: {  	_ =	swait.ge [sflag:s6], $0x1E88  }
0x103: {  	[sflag:s6] =	ssyncset.done $0x0  }
0x104: {  	s1 =	rddreg [dreg:$0xe];
	[sflag:s6] =	ssyncadd.s32 $0xFFFFE178  }
0x105: {  	[spmem:s1] =	stream.linear.scatter [tilespmem:s31], [sflag:$0x5], $0x1E88, $0x38;
	[tilespmem:$0x1FA40] =	vst v63  }
0x106: {  	s4 =	rddreg [dreg:$0xf]  }
0x107: {  	[tilespmem:s30], [sflag:$0x4] =	stream.linear.gather [hbm4b:s4+s2], $0x1E88, $0x38;
	[tilespmem:$0x1FA40] =	vst v63  }
0x108: {  	_ =	swait.ge [sflag:s8], $0x1E88  }
0x109: {  	[sflag:s8] =	ssyncset.done $0x0  }
0x10a: {  	[sflag:s8] =	ssyncadd.s32 $0xFFFFE178  }
0x10b: {  	_ =	swait.ge [sflag:s7], $0x1E88  }
0x10c: {  	[sflag:s7] =	ssyncset.done $0x0  }
0x10d: {  	s1 =	rddreg [dreg:$0x10];
	[sflag:s7] =	ssyncadd.s32 $0xFFFFE178  }
0x10e: {  	[spmem:s1] =	stream.linear.scatter [tilespmem:s30], [sflag:$0x6], $0x1E88, $0x38;
	[tilespmem:$0x1FA40] =	vst v63  }
0x10f: {  	s4 =	rddreg [dreg:$0x11]  }
0x110: {  	[tilespmem:s31], [sflag:$0x3] =	stream.linear.gather [hbm4b:s4+s2], $0x1E88, $0x38;
	[tilespmem:$0x1FA40] =	vst v63  }
0x111: {  	_ =	swait.ge [sflag:s9], $0x1E88  }
0x112: {  	[sflag:s9] =	ssyncset.done $0x0  }
0x113: {  	[sflag:s9] =	ssyncadd.s32 $0xFFFFE178  }
0x114: {  	_ =	swait.ge [sflag:s6], $0x1E88  }
0x115: {  	[sflag:s6] =	ssyncset.done $0x0  }
0x116: {  	s1 =	rddreg [dreg:$0x12];
	[sflag:s6] =	ssyncadd.s32 $0xFFFFE178  }
0x117: {  	[spmem:s1] =	stream.linear.scatter [tilespmem:s31], [sflag:$0x5], $0x1E88, $0x38;
	[tilespmem:$0x1FA40] =	vst v63  }
0x118: {  	s4 =	rddreg [dreg:$0x13]  }
0x119: {  	[tilespmem:s30], [sflag:$0x4] =	stream.linear.gather [hbm4b:s4+s2], $0x1E88, $0x38;
	[tilespmem:$0x1FA40] =	vst v63  }
0x11a: {  	s4 =	smov.u32 s5  }
0x11b: {  	s5 =	smov.u32 s11;
	s11 =	smov.u32 s12;
	s12 =	smov.u32 s15  }
0x11c: {  	s15 =	smov.u32 s16;
	s16 =	smov.u32 s18;
	_ =	swait.ge [sflag:s8], $0x1E88  }
0x11d: {  	s18 =	smov.u32 s19;
	s19 =	smov.u32 s21;
	[sflag:s8] =	ssyncset.done $0x0  }
0x11e: {  	s21 =	smov.u32 s22;
	s22 =	smov.u32 s23;
	[sflag:s8] =	ssyncadd.s32 $0xFFFFE178  }
0x11f: {  	s23 =	smov.u32 s24;
	s24 =	smov.u32 s25;
	_ =	swait.ge [sflag:s7], $0x1E88  }
0x120: {  	s25 =	smov.u32 s26;
	s26 =	smov.u32 s28;
	[sflag:s7] =	ssyncset.done $0x0  }
0x121: {  	s28 =	smov.u32 s29;
	s29 =	smov.u32 s3;
	[sflag:s7] =	ssyncadd.s32 $0xFFFFE178  }
0x122: {  	[spmem:s29] =	stream.linear.scatter [tilespmem:s30], [sflag:$0x6], $0x1E88, $0x38;
	[tilespmem:$0x1FA40] =	vst v63  }
0x123: {  	_ =	swait.ge [sflag:s6], $0x1E88  }
0x124: {  	[sflag:s6] =	ssyncset.done $0x0  }
0x125: {  	[sflag:s6] =	ssyncadd.s32 $0xFFFFE178  }
0x126: {  	_ =	swait.ge [sflag:s7], $0x1E88  }
0x127: {  	[sflag:s7] =	ssyncset.done $0x0  }
0x128: {  	[sflag:s7] =	ssyncadd.s32 $0xFFFFE178  }
0x129: {  	[bflag:$0x0] =	sbarrier.arrive $0xFFFF  }
0x12a: {  	_ =	swait.ge [sflag:s20], $0x3200  }
0x12b: {  	[sflag:s20] =	ssyncset.done $0x0  }
0x12c: {  	s3 =	smov.u32 s10;
	[sflag:s20] =	ssyncadd.s32 $0xFFFFCE00  }
0x12d: {  	[tilespmem:s13], [sflag:$0x3] =	stream.indirect.gather [spmem:s3], $0x1, s2, s14, $0xb8;
	[tilespmem:$0x1FA40] =	vst v63  }
0x12e: {  	_ = 	snop  }
0x12f: {  	[tilespmem:s14], [sflag:$0x2] =	stream.linear.gather [hbm4b:s28+s2], $0x3200, $0x38;
	[tilespmem:$0x1FA40] =	vst v63  }
0x130: {  	_ =	swait.ge [sflag:s17], $0x3200  }
0x131: {  	[sflag:s17] =	ssyncset.done $0x0  }
0x132: {  	s10 =	simm.s32 $0x9600;
	[sflag:s17] =	ssyncadd.s32 $0xFFFFCE00  }
0x133: {  	[tilespmem:s10], [sflag:$0x4] =	stream.indirect.gather [spmem:s3], $0x1, s14, s14, $0xb8;
	[tilespmem:$0x1FA40] =	vst v63  }
0x134: {  	_ =	swait.ge [sflag:s9], $0x3200  }
0x135: {  	[sflag:s9] =	ssyncset.done $0x0  }
0x136: {  	[sflag:s9] =	ssyncadd.s32 $0xFFFFCE00  }
0x137: {  	[hbm4b:s25+s2] =	stream.linear.scatter [tilespmem:s13], [sflag:$0x5], $0x3200, $0x38;
	[tilespmem:$0x1FA40] =	vst v63  }
0x138: {  	_ = 	snop  }
0x139: {  	[tilespmem:s2], [sflag:$0x1] =	stream.linear.gather [hbm4b:s26+s2], $0x3200, $0x38;
	[tilespmem:$0x1FA40] =	vst v63  }
0x13a: {  	_ =	swait.ge [sflag:s20], $0x3200  }
0x13b: {  	[sflag:s20] =	ssyncset.done $0x0  }
0x13c: {  	[sflag:s20] =	ssyncadd.s32 $0xFFFFCE00  }
0x13d: {  	_ =	swait.ge [sflag:s6], $0x3200  }
0x13e: {  	[sflag:s6] =	ssyncset.done $0x0  }
0x13f: {  	[sflag:s6] =	ssyncadd.s32 $0xFFFFCE00  }
0x140: {  	[tilespmem:s13], [sflag:$0x3] =	stream.indirect.gather [spmem:s3], $0x1, s2, s14, $0xb8;
	[tilespmem:$0x1FA40] =	vst v63  }
0x141: {  	_ =	swait.ge [sflag:s8], $0x3200  }
0x142: {  	[sflag:s8] =	ssyncset.done $0x0  }
0x143: {  	[sflag:s8] =	ssyncadd.s32 $0xFFFFCE00  }
0x144: {  	[hbm4b:s23+s2] =	stream.linear.scatter [tilespmem:s10], [sflag:$0x6], $0x3200, $0x38;
	[tilespmem:$0x1FA40] =	vst v63  }
0x145: {  	_ = 	snop  }
0x146: {  	[tilespmem:s14], [sflag:$0x2] =	stream.linear.gather [hbm4b:s24+s2], $0x3200, $0x38;
	[tilespmem:$0x1FA40] =	vst v63  }
0x147: {  	_ =	swait.ge [sflag:s17], $0x3200  }
0x148: {  	[sflag:s17] =	ssyncset.done $0x0  }
0x149: {  	[sflag:s17] =	ssyncadd.s32 $0xFFFFCE00  }
0x14a: {  	_ =	swait.ge [sflag:s7], $0x3200  }
0x14b: {  	[sflag:s7] =	ssyncset.done $0x0  }
0x14c: {  	[sflag:s7] =	ssyncadd.s32 $0xFFFFCE00  }
0x14d: {  	[tilespmem:s10], [sflag:$0x4] =	stream.indirect.gather [spmem:s3], $0x1, s14, s14, $0xb8;
	[tilespmem:$0x1FA40] =	vst v63  }
0x14e: {  	_ =	swait.ge [sflag:s9], $0x3200  }
0x14f: {  	[sflag:s9] =	ssyncset.done $0x0  }
0x150: {  	[sflag:s9] =	ssyncadd.s32 $0xFFFFCE00  }
0x151: {  	[hbm4b:s21+s2] =	stream.linear.scatter [tilespmem:s13], [sflag:$0x5], $0x3200, $0x38;
	[tilespmem:$0x1FA40] =	vst v63  }
0x152: {  	_ = 	snop  }
0x153: {  	[tilespmem:s2], [sflag:$0x1] =	stream.linear.gather [hbm4b:s22+s2], $0x3200, $0x38;
	[tilespmem:$0x1FA40] =	vst v63  }
0x154: {  	_ =	swait.ge [sflag:s20], $0x3200  }
0x155: {  	[sflag:s20] =	ssyncset.done $0x0  }
0x156: {  	[sflag:s20] =	ssyncadd.s32 $0xFFFFCE00  }
0x157: {  	_ =	swait.ge [sflag:s6], $0x3200  }
0x158: {  	[sflag:s6] =	ssyncset.done $0x0  }
0x159: {  	[sflag:s6] =	ssyncadd.s32 $0xFFFFCE00  }
0x15a: {  	[tilespmem:s13], [sflag:$0x3] =	stream.indirect.gather [spmem:s3], $0x1, s2, s14, $0xb8;
	[tilespmem:$0x1FA40] =	vst v63  }
0x15b: {  	_ =	swait.ge [sflag:s8], $0x3200  }
0x15c: {  	[sflag:s8] =	ssyncset.done $0x0  }
0x15d: {  	[sflag:s8] =	ssyncadd.s32 $0xFFFFCE00  }
0x15e: {  	[hbm4b:s18+s2] =	stream.linear.scatter [tilespmem:s10], [sflag:$0x6], $0x3200, $0x38;
	[tilespmem:$0x1FA40] =	vst v63  }
0x15f: {  	_ = 	snop  }
0x160: {  	[tilespmem:s14], [sflag:$0x2] =	stream.linear.gather [hbm4b:s19+s2], $0x3200, $0x38;
	[tilespmem:$0x1FA40] =	vst v63  }
0x161: {  	_ =	swait.ge [sflag:s17], $0x3200  }
0x162: {  	[sflag:s17] =	ssyncset.done $0x0  }
0x163: {  	[sflag:s17] =	ssyncadd.s32 $0xFFFFCE00  }
0x164: {  	_ =	swait.ge [sflag:s7], $0x3200  }
0x165: {  	[sflag:s7] =	ssyncset.done $0x0  }
0x166: {  	[sflag:s7] =	ssyncadd.s32 $0xFFFFCE00  }
0x167: {  	[tilespmem:s10], [sflag:$0x4] =	stream.indirect.gather [spmem:s3], $0x1, s14, s14, $0xb8;
	[tilespmem:$0x1FA40] =	vst v63  }
0x168: {  	_ =	swait.ge [sflag:s9], $0x3200  }
0x169: {  	[sflag:s9] =	ssyncset.done $0x0  }
0x16a: {  	[sflag:s9] =	ssyncadd.s32 $0xFFFFCE00  }
0x16b: {  	[hbm4b:s15+s2] =	stream.linear.scatter [tilespmem:s13], [sflag:$0x5], $0x3200, $0x38;
	[tilespmem:$0x1FA40] =	vst v63  }
0x16c: {  	_ = 	snop  }
0x16d: {  	[tilespmem:s2], [sflag:$0x1] =	stream.linear.gather [hbm4b:s16+s2], $0x3200, $0x38;
	[tilespmem:$0x1FA40] =	vst v63  }
0x16e: {  	_ =	swait.ge [sflag:s20], $0x3200  }
0x16f: {  	[sflag:s20] =	ssyncset.done $0x0  }
0x170: {  	[sflag:s20] =	ssyncadd.s32 $0xFFFFCE00  }
0x171: {  	_ =	swait.ge [sflag:s6], $0x3200  }
0x172: {  	[sflag:s6] =	ssyncset.done $0x0  }
0x173: {  	[sflag:s6] =	ssyncadd.s32 $0xFFFFCE00  }
0x174: {  	[tilespmem:s13], [sflag:$0x3] =	stream.indirect.gather [spmem:s3], $0x1, s2, s14, $0xb8;
	[tilespmem:$0x1FA40] =	vst v63  }
0x175: {  	_ =	swait.ge [sflag:s8], $0x3200  }
0x176: {  	[sflag:s8] =	ssyncset.done $0x0  }
0x177: {  	[sflag:s8] =	ssyncadd.s32 $0xFFFFCE00  }
0x178: {  	[hbm4b:s11+s2] =	stream.linear.scatter [tilespmem:s10], [sflag:$0x6], $0x3200, $0x38;
	[tilespmem:$0x1FA40] =	vst v63  }
0x179: {  	_ = 	snop  }
0x17a: {  	[tilespmem:s14], [sflag:$0x2] =	stream.linear.gather [hbm4b:s12+s2], $0x3200, $0x38;
	[tilespmem:$0x1FA40] =	vst v63  }
0x17b: {  	_ =	swait.ge [sflag:s17], $0x3200  }
0x17c: {  	[sflag:s17] =	ssyncset.done $0x0  }
0x17d: {  	[sflag:s17] =	ssyncadd.s32 $0xFFFFCE00  }
0x17e: {  	_ =	swait.ge [sflag:s7], $0x3200  }
0x17f: {  	[sflag:s7] =	ssyncset.done $0x0  }
0x180: {  	[sflag:s7] =	ssyncadd.s32 $0xFFFFCE00  }
0x181: {  	[tilespmem:s10], [sflag:$0x4] =	stream.indirect.gather [spmem:s3], $0x1, s14, s14, $0xb8;
	[tilespmem:$0x1FA40] =	vst v63  }
0x182: {  	_ =	swait.ge [sflag:s9], $0x3200  }
0x183: {  	[sflag:s9] =	ssyncset.done $0x0  }
0x184: {  	[sflag:s9] =	ssyncadd.s32 $0xFFFFCE00  }
0x185: {  	[hbm4b:s5+s2] =	stream.linear.scatter [tilespmem:s13], [sflag:$0x5], $0x3200, $0x38;
	[tilespmem:$0x1FA40] =	vst v63  }
0x186: {  	_ =	swait.ge [sflag:s8], $0x3200  }
0x187: {  	[sflag:s8] =	ssyncset.done $0x0  }
0x188: {  	[sflag:s8] =	ssyncadd.s32 $0xFFFFCE00  }
0x189: {  	p1 =	sne.s32 s0, $0x1;
	_ =	swait.ge [sflag:s6], $0x3200  }
.Ltmp2:
0x18a: {  	[sflag:s6] =	ssyncset.done $0x0;
	(pc) =	sbr.rel @p1 .LBB2_2-.Ltmp2, $4  }
0x18b: {  	[sflag:s6] =	ssyncadd.s32 $0xFFFFCE00  }
0x18c: {  	[hbm4b:s4+s2] =	stream.linear.scatter [tilespmem:s10], [sflag:$0x6], $0x3200, $0x38;
	[tilespmem:$0x1FA40] =	vst v63  }
0x18d: {  	_ =	swait.ge [sflag:s7], $0x3200  }
0x18e: {  	s0 =	sadd.s32 $0xFFFFFFFF, s0;
	s1 =	rddreg [dreg:$0x4];
	[sflag:s7] =	ssyncset.done $0x0  }
.LBB2_3:
0x18f: {  	[sflag:s7] =	ssyncadd.s32 @p0 $0xFFFFCE00  }
0x190: {  	[tilespmem:s2], [sflag:$0x1] =	stream.linear.gather [hbm4b:s1+s2], $0x3200, $0x38;
	[tilespmem:$0x1FA40] =	vst v63  }
0x191: {  	s0 =	rddreg [dreg:$0x5]  }
0x192: {  	[tilespmem:s31], [sflag:$0x3] =	stream.linear.gather [hbm4b:s0+s2], $0x1E88, $0x38;
	[tilespmem:$0x1FA40] =	vst v63  }
0x193: {  	_ =	swait.ge [sflag:s9], $0x1E88  }
0x194: {  	[sflag:s9] =	ssyncset.done $0x0  }
0x195: {  	s0 =	rddreg [dreg:$0x6];
	[sflag:s9] =	ssyncadd.s32 $0xFFFFE178  }
0x196: {  	[spmem:s0] =	stream.linear.scatter [tilespmem:s31], [sflag:$0x5], $0x1E88, $0x38;
	[tilespmem:$0x1FA40] =	vst v63  }
0x197: {  	s1 =	rddreg [dreg:$0x7]  }
0x198: {  	[tilespmem:s30], [sflag:$0x4] =	stream.linear.gather [hbm4b:s1+s2], $0x1E88, $0x38;
	[tilespmem:$0x1FA40] =	vst v63  }
0x199: {  	_ =	swait.ge [sflag:s8], $0x1E88  }
0x19a: {  	[sflag:s8] =	ssyncset.done $0x0  }
0x19b: {  	s0 =	rddreg [dreg:$0x8];
	[sflag:s8] =	ssyncadd.s32 $0xFFFFE178  }
0x19c: {  	[spmem:s0] =	stream.linear.scatter [tilespmem:s30], [sflag:$0x6], $0x1E88, $0x38;
	[tilespmem:$0x1FA40] =	vst v63  }
0x19d: {  	s1 =	rddreg [dreg:$0x9]  }
0x19e: {  	[tilespmem:s31], [sflag:$0x3] =	stream.linear.gather [hbm4b:s1+s2], $0x1E88, $0x38;
	[tilespmem:$0x1FA40] =	vst v63  }
0x19f: {  	_ =	swait.ge [sflag:s9], $0x1E88  }
0x1a0: {  	[sflag:s9] =	ssyncset.done $0x0  }
0x1a1: {  	[sflag:s9] =	ssyncadd.s32 $0xFFFFE178  }
0x1a2: {  	_ =	swait.ge [sflag:s6], $0x1E88  }
0x1a3: {  	[sflag:s6] =	ssyncset.done $0x0  }
0x1a4: {  	s0 =	rddreg [dreg:$0xa];
	[sflag:s6] =	ssyncadd.s32 $0xFFFFE178  }
0x1a5: {  	[spmem:s0] =	stream.linear.scatter [tilespmem:s31], [sflag:$0x5], $0x1E88, $0x38;
	[tilespmem:$0x1FA40] =	vst v63  }
0x1a6: {  	s1 =	rddreg [dreg:$0xb]  }
0x1a7: {  	[tilespmem:s30], [sflag:$0x4] =	stream.linear.gather [hbm4b:s1+s2], $0x1E88, $0x38;
	[tilespmem:$0x1FA40] =	vst v63  }
0x1a8: {  	_ =	swait.ge [sflag:s8], $0x1E88  }
0x1a9: {  	[sflag:s8] =	ssyncset.done $0x0  }
0x1aa: {  	[sflag:s8] =	ssyncadd.s32 $0xFFFFE178  }
0x1ab: {  	_ =	swait.ge [sflag:s7], $0x1E88  }
0x1ac: {  	[sflag:s7] =	ssyncset.done $0x0  }
0x1ad: {  	s0 =	rddreg [dreg:$0xc];
	[sflag:s7] =	ssyncadd.s32 $0xFFFFE178  }
0x1ae: {  	[spmem:s0] =	stream.linear.scatter [tilespmem:s30], [sflag:$0x6], $0x1E88, $0x38;
	[tilespmem:$0x1FA40] =	vst v63  }
0x1af: {  	s1 =	rddreg [dreg:$0xd]  }
0x1b0: {  	[tilespmem:s31], [sflag:$0x3] =	stream.linear.gather [hbm4b:s1+s2], $0x1E88, $0x38;
	[tilespmem:$0x1FA40] =	vst v63  }
0x1b1: {  	_ =	swait.ge [sflag:s9], $0x1E88  }
0x1b2: {  	[sflag:s9] =	ssyncset.done $0x0  }
0x1b3: {  	[sflag:s9] =	ssyncadd.s32 $0xFFFFE178  }
0x1b4: {  	_ =	swait.ge [sflag:s6], $0x1E88  }
0x1b5: {  	[sflag:s6] =	ssyncset.done $0x0  }
0x1b6: {  	s0 =	rddreg [dreg:$0xe];
	[sflag:s6] =	ssyncadd.s32 $0xFFFFE178  }
0x1b7: {  	[spmem:s0] =	stream.linear.scatter [tilespmem:s31], [sflag:$0x5], $0x1E88, $0x38;
	[tilespmem:$0x1FA40] =	vst v63  }
0x1b8: {  	s1 =	rddreg [dreg:$0xf]  }
0x1b9: {  	[tilespmem:s30], [sflag:$0x4] =	stream.linear.gather [hbm4b:s1+s2], $0x1E88, $0x38;
	[tilespmem:$0x1FA40] =	vst v63  }
0x1ba: {  	_ =	swait.ge [sflag:s8], $0x1E88  }
0x1bb: {  	[sflag:s8] =	ssyncset.done $0x0  }
0x1bc: {  	[sflag:s8] =	ssyncadd.s32 $0xFFFFE178  }
0x1bd: {  	_ =	swait.ge [sflag:s7], $0x1E88  }
0x1be: {  	[sflag:s7] =	ssyncset.done $0x0  }
0x1bf: {  	s0 =	rddreg [dreg:$0x10];
	[sflag:s7] =	ssyncadd.s32 $0xFFFFE178  }
0x1c0: {  	[spmem:s0] =	stream.linear.scatter [tilespmem:s30], [sflag:$0x6], $0x1E88, $0x38;
	[tilespmem:$0x1FA40] =	vst v63  }
0x1c1: {  	s1 =	rddreg [dreg:$0x11]  }
0x1c2: {  	[tilespmem:s31], [sflag:$0x3] =	stream.linear.gather [hbm4b:s1+s2], $0x1E88, $0x38;
	[tilespmem:$0x1FA40] =	vst v63  }
0x1c3: {  	_ =	swait.ge [sflag:s9], $0x1E88  }
0x1c4: {  	[sflag:s9] =	ssyncset.done $0x0  }
0x1c5: {  	[sflag:s9] =	ssyncadd.s32 $0xFFFFE178  }
0x1c6: {  	_ =	swait.ge [sflag:s6], $0x1E88  }
0x1c7: {  	[sflag:s6] =	ssyncset.done $0x0  }
0x1c8: {  	s0 =	rddreg [dreg:$0x12];
	[sflag:s6] =	ssyncadd.s32 $0xFFFFE178  }
0x1c9: {  	[spmem:s0] =	stream.linear.scatter [tilespmem:s31], [sflag:$0x5], $0x1E88, $0x38;
	[tilespmem:$0x1FA40] =	vst v63  }
0x1ca: {  	s1 =	rddreg [dreg:$0x13]  }
0x1cb: {  	[tilespmem:s30], [sflag:$0x4] =	stream.linear.gather [hbm4b:s1+s2], $0x1E88, $0x38;
	[tilespmem:$0x1FA40] =	vst v63  }
0x1cc: {  	_ =	swait.ge [sflag:s8], $0x1E88  }
0x1cd: {  	[sflag:s8] =	ssyncset.done $0x0  }
0x1ce: {  	[sflag:s8] =	ssyncadd.s32 $0xFFFFE178  }
0x1cf: {  	_ =	swait.ge [sflag:s7], $0x1E88  }
0x1d0: {  	[sflag:s7] =	ssyncset.done $0x0  }
0x1d1: {  	[sflag:s7] =	ssyncadd.s32 $0xFFFFE178  }
0x1d2: {  	[spmem:s29] =	stream.linear.scatter [tilespmem:s30], [sflag:$0x6], $0x1E88, $0x38;
	[tilespmem:$0x1FA40] =	vst v63  }
0x1d3: {  	_ =	swait.ge [sflag:s6], $0x1E88  }
0x1d4: {  	[sflag:s6] =	ssyncset.done $0x0  }
0x1d5: {  	[sflag:s6] =	ssyncadd.s32 $0xFFFFE178  }
0x1d6: {  	_ =	swait.ge [sflag:s7], $0x1E88  }
0x1d7: {  	[sflag:s7] =	ssyncset.done $0x0  }
0x1d8: {  	[sflag:s7] =	ssyncadd.s32 $0xFFFFE178  }
0x1d9: {  	[bflag:$0x0] =	sbarrier.arrive $0xFFFF  }
0x1da: {  	_ =	swait.ge [sflag:s20], $0x3200  }
0x1db: {  	[sflag:s20] =	ssyncset.done $0x0  }
0x1dc: {  	[sflag:s20] =	ssyncadd.s32 $0xFFFFCE00  }
0x1dd: {  	[tilespmem:s13], [sflag:$0x3] =	stream.indirect.gather [spmem:s3], $0x1, s2, s14, $0xb8;
	[tilespmem:$0x1FA40] =	vst v63  }
0x1de: {  	_ = 	snop  }
0x1df: {  	[tilespmem:s14], [sflag:$0x2] =	stream.linear.gather [hbm4b:s28+s2], $0x3200, $0x38;
	[tilespmem:$0x1FA40] =	vst v63  }
0x1e0: {  	_ =	swait.ge [sflag:s17], $0x3200  }
0x1e1: {  	[sflag:s17] =	ssyncset.done $0x0  }
0x1e2: {  	[sflag:s17] =	ssyncadd.s32 $0xFFFFCE00  }
0x1e3: {  	[tilespmem:s10], [sflag:$0x4] =	stream.indirect.gather [spmem:s3], $0x1, s14, s14, $0xb8;
	[tilespmem:$0x1FA40] =	vst v63  }
0x1e4: {  	_ =	swait.ge [sflag:s9], $0x3200  }
0x1e5: {  	[sflag:s9] =	ssyncset.done $0x0  }
0x1e6: {  	[sflag:s9] =	ssyncadd.s32 $0xFFFFCE00  }
0x1e7: {  	[hbm4b:s25+s2] =	stream.linear.scatter [tilespmem:s13], [sflag:$0x5], $0x3200, $0x38;
	[tilespmem:$0x1FA40] =	vst v63  }
0x1e8: {  	_ = 	snop  }
0x1e9: {  	[tilespmem:s2], [sflag:$0x1] =	stream.linear.gather [hbm4b:s26+s2], $0x3200, $0x38;
	[tilespmem:$0x1FA40] =	vst v63  }
0x1ea: {  	_ =	swait.ge [sflag:s20], $0x3200  }
0x1eb: {  	[sflag:s20] =	ssyncset.done $0x0  }
0x1ec: {  	[sflag:s20] =	ssyncadd.s32 $0xFFFFCE00  }
0x1ed: {  	_ =	swait.ge [sflag:s6], $0x3200  }
0x1ee: {  	[sflag:s6] =	ssyncset.done $0x0  }
0x1ef: {  	[sflag:s6] =	ssyncadd.s32 $0xFFFFCE00  }
0x1f0: {  	[tilespmem:s13], [sflag:$0x3] =	stream.indirect.gather [spmem:s3], $0x1, s2, s14, $0xb8;
	[tilespmem:$0x1FA40] =	vst v63  }
0x1f1: {  	_ =	swait.ge [sflag:s8], $0x3200  }
0x1f2: {  	[sflag:s8] =	ssyncset.done $0x0  }
0x1f3: {  	[sflag:s8] =	ssyncadd.s32 $0xFFFFCE00  }
0x1f4: {  	[hbm4b:s23+s2] =	stream.linear.scatter [tilespmem:s10], [sflag:$0x6], $0x3200, $0x38;
	[tilespmem:$0x1FA40] =	vst v63  }
0x1f5: {  	_ = 	snop  }
0x1f6: {  	[tilespmem:s14], [sflag:$0x2] =	stream.linear.gather [hbm4b:s24+s2], $0x3200, $0x38;
	[tilespmem:$0x1FA40] =	vst v63  }
0x1f7: {  	_ =	swait.ge [sflag:s17], $0x3200  }
0x1f8: {  	[sflag:s17] =	ssyncset.done $0x0  }
0x1f9: {  	[sflag:s17] =	ssyncadd.s32 $0xFFFFCE00  }
0x1fa: {  	_ =	swait.ge [sflag:s7], $0x3200  }
0x1fb: {  	[sflag:s7] =	ssyncset.done $0x0  }
0x1fc: {  	[sflag:s7] =	ssyncadd.s32 $0xFFFFCE00  }
0x1fd: {  	[tilespmem:s10], [sflag:$0x4] =	stream.indirect.gather [spmem:s3], $0x1, s14, s14, $0xb8;
	[tilespmem:$0x1FA40] =	vst v63  }
0x1fe: {  	_ =	swait.ge [sflag:s9], $0x3200  }
0x1ff: {  	[sflag:s9] =	ssyncset.done $0x0  }
0x200: {  	[sflag:s9] =	ssyncadd.s32 $0xFFFFCE00  }
0x201: {  	[hbm4b:s21+s2] =	stream.linear.scatter [tilespmem:s13], [sflag:$0x5], $0x3200, $0x38;
	[tilespmem:$0x1FA40] =	vst v63  }
0x202: {  	_ = 	snop  }
0x203: {  	[tilespmem:s2], [sflag:$0x1] =	stream.linear.gather [hbm4b:s22+s2], $0x3200, $0x38;
	[tilespmem:$0x1FA40] =	vst v63  }
0x204: {  	_ =	swait.ge [sflag:s20], $0x3200  }
0x205: {  	[sflag:s20] =	ssyncset.done $0x0  }
0x206: {  	[sflag:s20] =	ssyncadd.s32 $0xFFFFCE00  }
0x207: {  	_ =	swait.ge [sflag:s6], $0x3200  }
0x208: {  	[sflag:s6] =	ssyncset.done $0x0  }
0x209: {  	[sflag:s6] =	ssyncadd.s32 $0xFFFFCE00  }
0x20a: {  	[tilespmem:s13], [sflag:$0x3] =	stream.indirect.gather [spmem:s3], $0x1, s2, s14, $0xb8;
	[tilespmem:$0x1FA40] =	vst v63  }
0x20b: {  	_ =	swait.ge [sflag:s8], $0x3200  }
0x20c: {  	[sflag:s8] =	ssyncset.done $0x0  }
0x20d: {  	[sflag:s8] =	ssyncadd.s32 $0xFFFFCE00  }
0x20e: {  	[hbm4b:s18+s2] =	stream.linear.scatter [tilespmem:s10], [sflag:$0x6], $0x3200, $0x38;
	[tilespmem:$0x1FA40] =	vst v63  }
0x20f: {  	_ = 	snop  }
0x210: {  	[tilespmem:s14], [sflag:$0x2] =	stream.linear.gather [hbm4b:s19+s2], $0x3200, $0x38;
	[tilespmem:$0x1FA40] =	vst v63  }
0x211: {  	_ =	swait.ge [sflag:s17], $0x3200  }
0x212: {  	[sflag:s17] =	ssyncset.done $0x0  }
0x213: {  	[sflag:s17] =	ssyncadd.s32 $0xFFFFCE00  }
0x214: {  	_ =	swait.ge [sflag:s7], $0x3200  }
0x215: {  	[sflag:s7] =	ssyncset.done $0x0  }
0x216: {  	[sflag:s7] =	ssyncadd.s32 $0xFFFFCE00  }
0x217: {  	[tilespmem:s10], [sflag:$0x4] =	stream.indirect.gather [spmem:s3], $0x1, s14, s14, $0xb8;
	[tilespmem:$0x1FA40] =	vst v63  }
0x218: {  	_ =	swait.ge [sflag:s9], $0x3200  }
0x219: {  	[sflag:s9] =	ssyncset.done $0x0  }
0x21a: {  	[sflag:s9] =	ssyncadd.s32 $0xFFFFCE00  }
0x21b: {  	[hbm4b:s15+s2] =	stream.linear.scatter [tilespmem:s13], [sflag:$0x5], $0x3200, $0x38;
	[tilespmem:$0x1FA40] =	vst v63  }
0x21c: {  	_ = 	snop  }
0x21d: {  	[tilespmem:s2], [sflag:$0x1] =	stream.linear.gather [hbm4b:s16+s2], $0x3200, $0x38;
	[tilespmem:$0x1FA40] =	vst v63  }
0x21e: {  	_ =	swait.ge [sflag:s20], $0x3200  }
0x21f: {  	[sflag:s20] =	ssyncset.done $0x0  }
0x220: {  	[sflag:s20] =	ssyncadd.s32 $0xFFFFCE00  }
0x221: {  	_ =	swait.ge [sflag:s6], $0x3200  }
0x222: {  	[sflag:s6] =	ssyncset.done $0x0  }
0x223: {  	[sflag:s6] =	ssyncadd.s32 $0xFFFFCE00  }
0x224: {  	[tilespmem:s13], [sflag:$0x3] =	stream.indirect.gather [spmem:s3], $0x1, s2, s14, $0xb8;
	[tilespmem:$0x1FA40] =	vst v63  }
0x225: {  	_ =	swait.ge [sflag:s8], $0x3200  }
0x226: {  	[sflag:s8] =	ssyncset.done $0x0  }
0x227: {  	[sflag:s8] =	ssyncadd.s32 $0xFFFFCE00  }
0x228: {  	[hbm4b:s11+s2] =	stream.linear.scatter [tilespmem:s10], [sflag:$0x6], $0x3200, $0x38;
	[tilespmem:$0x1FA40] =	vst v63  }
0x229: {  	_ = 	snop  }
0x22a: {  	[tilespmem:s14], [sflag:$0x2] =	stream.linear.gather [hbm4b:s12+s2], $0x3200, $0x38;
	[tilespmem:$0x1FA40] =	vst v63  }
0x22b: {  	_ =	swait.ge [sflag:s17], $0x3200  }
0x22c: {  	[sflag:s17] =	ssyncset.done $0x0  }
0x22d: {  	[sflag:s17] =	ssyncadd.s32 $0xFFFFCE00  }
0x22e: {  	_ =	swait.ge [sflag:s7], $0x3200  }
0x22f: {  	[sflag:s7] =	ssyncset.done $0x0  }
0x230: {  	[sflag:s7] =	ssyncadd.s32 $0xFFFFCE00  }
0x231: {  	[tilespmem:s10], [sflag:$0x4] =	stream.indirect.gather [spmem:s3], $0x1, s14, s14, $0xb8;
	[tilespmem:$0x1FA40] =	vst v63  }
0x232: {  	_ =	swait.ge [sflag:s9], $0x3200  }
0x233: {  	[sflag:s9] =	ssyncset.done $0x0  }
0x234: {  	[sflag:s9] =	ssyncadd.s32 $0xFFFFCE00  }
0x235: {  	[hbm4b:s5+s2] =	stream.linear.scatter [tilespmem:s13], [sflag:$0x5], $0x3200, $0x38;
	[tilespmem:$0x1FA40] =	vst v63  }
0x236: {  	_ =	swait.ge [sflag:s8], $0x3200  }
0x237: {  	[sflag:s8] =	ssyncset.done $0x0  }
0x238: {  	[sflag:s8] =	ssyncadd.s32 $0xFFFFCE00  }
0x239: {  	_ =	swait.ge [sflag:s6], $0x3200  }
0x23a: {  	[sflag:s6] =	ssyncset.done $0x0  }
0x23b: {  	[sflag:s6] =	ssyncadd.s32 $0xFFFFCE00  }
0x23c: {  	[hbm4b:s4+s2] =	stream.linear.scatter [tilespmem:s10], [sflag:$0x6], $0x3200, $0x38;
	[tilespmem:$0x1FA40] =	vst v63  }
0x23d: {  	_ =	swait.ge [sflag:s7], $0x3200  }
0x23e: {  	[sflag:s7] =	ssyncset.done $0x0  }
0x23f: {  	[sflag:s7] =	ssyncadd.s32 $0xFFFFCE00  }
0x240: {  	_ =	sfence.sel $0x180000  }
0x241: {  	[bflag:$0x0] =	sbarrier.arrive $0xFFFF  }
0x242: {  	_ =	strace $0x90000047  }
0x243: {  	s31 =	stileid.u32;
	[bflag:$0x2] =	sbarrier.arrive $0xFFFF  }
0x244: {  	p0 =	sne.s32 s31, $0x0;
	s0 =	rddreg [dreg:$0x3]  }
0x245: {  	s0 =	sadd.s32 @!p0 $0x100000, s0  }
0x246: {  	[sflag:s0] =	ssyncadd.tile.s32 @!p0 $0x1;
	_ =	shalt  }
.Lfunc_end2:
_tile_overlayer_lowered:
.L_overlay_start_2:
0x247: {  	(tag) =	ssettag $0x2  }
0x248: {  	s0 =	rddreg [dreg:$0x0];
	s2 =	stileid.u32  }
0x249: {  	s1 =	rddreg [dreg:$0x1];
	p0 =	sne.s32 s2, $0x0  }
0x24a: {  	s3 =	rddreg [dreg:$0x2];
	[bflag:$0x3] =	sbarrier.arrive $0xFFFF;
	s2 =	simm.s32 @!p0 $0x1C07  }
0x24b: {  	[timem:s3], [sflag:s2] =	dma.local @!p0 [hbm:s0], s1  }
0x24c: {  	s0 =	simm.s32 @!p0 $0x7  }
0x24d: {  	_ =	swait.ge @!p0 [sflag:s0], s1  }
0x24e: {  	s1 =	ssub.s32 @!p0 $0x0, s1;
	[sflag:s0] =	ssyncset.done @!p0 $0x0  }
0x24f: {  	[sflag:s0] =	ssyncadd.s32 @!p0 s1  }
0x250: {  	[bflag:$0x3] =	sbarrier.arrive $0xFFFF  }
0x251: {  	_ =	shalt  }

</sc_bundles>
